<compile_context>
chip_gen: v7x
topology: tpu7x:2x2x1
jax: 0.10.2.dev20260603
libtpu: 0.0.44.dev20260713+nightly
codegen_flags: <defaults>
</compile_context>

<pallas_src>
import functools

import jax
import jax.numpy as jnp
from jax import lax
from jax.experimental import pallas as pl
from jax.experimental.pallas import tpu as pltpu
from jax.experimental.pallas import tpu_sc as plsc

NC = 2
NS = 16
NW = NC * NS

CHUNK = 128
GROUP = 13


def _make_gather(total, v, d):
    per_w = total // NW
    n_chunk = per_w // CHUNK
    n_group = n_chunk // GROUP
    rows = GROUP * CHUNK
    assert per_w * NW == total and n_chunk * CHUNK == per_w
    assert n_group * GROUP == n_chunk and n_group % 2 == 0

    mesh = plsc.VectorSubcoreMesh(core_axis_name="c", subcore_axis_name="s")

    @functools.partial(
        pl.kernel,
        mesh=mesh,
        compiler_params=pltpu.CompilerParams(use_tc_tiling_on_sc=False),
        out_type=jax.ShapeDtypeStruct((total, d), jnp.float32),
        scratch_types=[
            pltpu.VMEM((n_chunk, CHUNK), jnp.int32),
            pltpu.VMEM((2, rows, d), jnp.float32),
            pltpu.SemaphoreType.DMA,
            pltpu.SemaphoreType.DMA,
        ],
    )
    def gather_kernel(idx_hbm, tab_hbm, out_hbm, idx_v, rows_v, gsem, osem):
        wid = lax.axis_index("s") * NC + lax.axis_index("c")
        pltpu.sync_copy(idx_hbm.at[pl.ds(wid * n_chunk, n_chunk)], idx_v)

        def fire(g, buf):
            return [pltpu.async_copy(
                        tab_hbm.at[idx_v.at[g * GROUP + b]],
                        rows_v.at[buf, pl.ds(b * CHUNK, CHUNK)],
                        gsem)
                    for b in range(GROUP)]

        def write_out(g, buf):
            return pltpu.async_copy(
                rows_v.at[buf],
                out_hbm.at[pl.ds(wid * per_w + g * rows, rows)],
                osem)

        def pair_body(p, carry):
            g0 = p * 2
            h0 = fire(g0, 0)
            for h in h0:
                h.wait()
            w0 = write_out(g0, 0)
            h1 = fire(g0 + 1, 1)
            for h in h1:
                h.wait()
            w1 = write_out(g0 + 1, 1)
            w0.wait()
            w1.wait()
            return carry

        lax.fori_loop(0, n_group // 2, pair_body, 0)

    return gather_kernel


def kernel(x, table):
    b, f = x.shape
    v, d = table.shape
    total = b * f
    idx = x.reshape(total // CHUNK, CHUNK).astype(jnp.int32)
    out = _make_gather(total, v, d)(idx, table)
    return out.reshape(b, f * d)

# --- scband reference (transcript-rebuilt; emitter-appended) ---
"""Pipeline reference for scband-categorical-encoder-20401094656574 (READ-ONLY COPY).

The authoritative reference and input builder live on the scoring server;
editing this copy changes nothing except your own understanding.
"""

import jax, jax.numpy as jnp
import numpy as np

NUM_CATEGORIES = 1000000
EMBED_DIM = 16
BATCH = 16384
FIELDS = 26


def setup_inputs(seed: int = 0) -> dict:
    key = jax.random.key(seed)
    k_idx, k_tab = jax.random.split(key)
    x = jax.random.randint(k_idx, (BATCH, FIELDS), 0, NUM_CATEGORIES, dtype=jnp.int64 if jax.config.read('jax_enable_x64') else jnp.int32)
    table = jax.random.normal(k_tab, (NUM_CATEGORIES, EMBED_DIM), dtype=jnp.float32)
    return {"x": x, "table": table}


def reference(x, table):
    # nn.Embedding lookup: gather rows, then flatten per batch element
    emb = jnp.take(table, x, axis=0)  # [B, FIELDS, EMBED_DIM]
    return emb.reshape(x.shape[0], -1)  # [B, FIELDS * EMBED_DIM]

if __name__ == "__main__":
    import jax
    _d = setup_inputs()
    print(jax.jit(kernel)(*tuple(_d.values())))

</pallas_src>

<mosaic_0001>
#map = affine_map<(d0, d1) -> (0, 0)>
module attributes {stable_mosaic.version = 14 : i64} {
  func.func @gather_kernel(%arg0: i32, %arg1: i32, %arg2: memref<3328x128xi32, #tpu.memory_space<hbm>>, %arg3: memref<1000000x16xf32, #tpu.memory_space<hbm>>, %arg4: memref<425984x16xf32, #tpu.memory_space<hbm>>, %arg5: memref<104x128xi32, #tpu.memory_space<vmem>>, %arg6: memref<2x1664x16xf32, #tpu.memory_space<vmem>>, %arg7: memref<!tpu.dma_semaphore, #tpu.memory_space<semaphore_mem>>, %arg8: memref<!tpu.dma_semaphore, #tpu.memory_space<semaphore_mem>>) attributes {dimension_semantics = [#tpu.dimension_semantics<core_parallel>, #tpu.dimension_semantics<subcore_parallel>], iteration_bounds = array<i64: 2, 16>, scalar_prefetch = 0 : i64, scratch_operands = 4 : i64, tpu.core_type = #tpu.core_type<sc_vector_subcore>, window_params = [{transform_indices = #map}, {transform_indices = #map}, {transform_indices = #map}]} {
    %mul3A = arith.constant 2 : i32
    %mul3A_0 = arith.muli %arg1, %mul3A : i32
    %add3A = arith.addi %mul3A_0, %arg0 : i32
    %mul3A_1 = arith.constant 104 : i32
    %mul3A_2 = arith.muli %add3A, %mul3A_1 : i32
    "tpu.region"() ({
      %run_scoped3A = tpu.sem_alloc : memref<!tpu.dma_semaphore, #tpu.memory_space<semaphore_mem>>
      %dma_start3A = arith.constant 0 : i32
      %dma_start3A_8 = tpu.memref_slice %arg2[%mul3A_2, %dma_start3A] : memref<3328x128xi32, #tpu.memory_space<hbm>> -> memref<104x128xi32, #tpu.memory_space<hbm>>
      %dma_start3A_9 = arith.constant 0 : i32
      %dma_start3A_10 = tpu.memref_slice %arg2[%mul3A_2, %dma_start3A_9] : memref<3328x128xi32, #tpu.memory_space<hbm>> -> memref<104x128xi32, #tpu.memory_space<hbm>>
      tpu.enqueue_dma source(%dma_start3A_10 : memref<104x128xi32, #tpu.memory_space<hbm>>) target(%arg5 : memref<104x128xi32, #tpu.memory_space<vmem>>) target_semaphore(%run_scoped3A : memref<!tpu.dma_semaphore, #tpu.memory_space<semaphore_mem>>)
      %dma_wait3A = arith.constant 0 : i32
      %dma_wait3A_11 = tpu.memref_slice %arg2[%mul3A_2, %dma_wait3A] : memref<3328x128xi32, #tpu.memory_space<hbm>> -> memref<104x128xi32, #tpu.memory_space<hbm>>
      %dma_wait3A_12 = arith.constant 0 : i32
      %dma_wait3A_13 = tpu.memref_slice %arg2[%mul3A_2, %dma_wait3A_12] : memref<3328x128xi32, #tpu.memory_space<hbm>> -> memref<104x128xi32, #tpu.memory_space<hbm>>
      tpu.wait_dma2 semaphore(%run_scoped3A : memref<!tpu.dma_semaphore, #tpu.memory_space<semaphore_mem>>) src(%dma_wait3A_13 : memref<104x128xi32, #tpu.memory_space<hbm>>) dst(%arg5 : memref<104x128xi32, #tpu.memory_space<vmem>>)
      tpu.yield
    }) : () -> ()
    %scan3A = arith.constant 0 : i32
    %scan3A_3 = arith.constant 0 : i32
    %scan3A_4 = arith.constant 4 : i32
    %scan3A_5 = arith.addi %scan3A_3, %scan3A_4 : i32
    %scan3A_6 = arith.constant 1 : i32
    scf.for %scan3A_8 = %scan3A_3 to %scan3A_5 step %scan3A_6  : i32 {
      %mul3A_9 = arith.constant 2 : i32
      %mul3A_10 = arith.muli %scan3A_8, %mul3A_9 : i32
      %mul3A_11 = arith.constant 13 : i32
      %mul3A_12 = arith.muli %mul3A_10, %mul3A_11 : i32
      %add3A_13 = arith.constant 0 : i32
      %add3A_14 = arith.addi %mul3A_12, %add3A_13 : i32
      %dma_start3A = arith.constant 0 : i32
      %dma_start3A_15 = arith.constant 0 : i32
      %dma_start3A_16 = arith.constant 0 : i32
      %dma_start3A_17 = tpu.memref_slice %arg6[%dma_start3A, %dma_start3A_15, %dma_start3A_16] : memref<2x1664x16xf32, #tpu.memory_space<vmem>> -> memref<1x128x16xf32, #tpu.memory_space<vmem>>
      %dma_start3A_18 = tpu.memref_squeeze %dma_start3A_17 : memref<1x128x16xf32, #tpu.memory_space<vmem>> -> memref<128x16xf32, #tpu.memory_space<vmem>>
      %dma_start3A_19 = arith.constant 0 : i32
      %dma_start3A_20 = tpu.memref_slice %arg5[%add3A_14, %dma_start3A_19] : memref<104x128xi32, #tpu.memory_space<vmem>> -> memref<1x128xi32, #tpu.memory_space<vmem>>
      %dma_start3A_21 = tpu.memref_squeeze %dma_start3A_20 : memref<1x128xi32, #tpu.memory_space<vmem>> -> memref<128xi32, #tpu.memory_space<vmem>>
      %dma_start3A_22 = arith.constant 0 : i32
      %dma_start3A_23 = arith.constant 0 : i32
      %dma_start3A_24 = tpu.memref_slice %arg3[%dma_start3A_22, %dma_start3A_23] : memref<1000000x16xf32, #tpu.memory_space<hbm>> -> memref<1000000x16xf32, #tpu.memory_space<hbm>>
      tpu.enqueue_indirect_dma source(%dma_start3A_24 : memref<1000000x16xf32, #tpu.memory_space<hbm>>) target(%dma_start3A_18 : memref<128x16xf32, #tpu.memory_space<vmem>>) offsets(%dma_start3A_21 : memref<128xi32, #tpu.memory_space<vmem>>) semaphore(%arg7 : memref<!tpu.dma_semaphore, #tpu.memory_space<semaphore_mem>>)
      %mul3A_25 = arith.constant 13 : i32
      %mul3A_26 = arith.muli %mul3A_10, %mul3A_25 : i32
      %add3A_27 = arith.constant 1 : i32
      %add3A_28 = arith.addi %mul3A_26, %add3A_27 : i32
      %dma_start3A_29 = arith.constant 0 : i32
      %dma_start3A_30 = arith.constant 128 : i32
      %dma_start3A_31 = arith.constant 0 : i32
      %dma_start3A_32 = tpu.memref_slice %arg6[%dma_start3A_29, %dma_start3A_30, %dma_start3A_31] : memref<2x1664x16xf32, #tpu.memory_space<vmem>> -> memref<1x128x16xf32, #tpu.memory_space<vmem>>
      %dma_start3A_33 = tpu.memref_squeeze %dma_start3A_32 : memref<1x128x16xf32, #tpu.memory_space<vmem>> -> memref<128x16xf32, #tpu.memory_space<vmem>>
      %dma_start3A_34 = arith.constant 0 : i32
      %dma_start3A_35 = tpu.memref_slice %arg5[%add3A_28, %dma_start3A_34] : memref<104x128xi32, #tpu.memory_space<vmem>> -> memref<1x128xi32, #tpu.memory_space<vmem>>
      %dma_start3A_36 = tpu.memref_squeeze %dma_start3A_35 : memref<1x128xi32, #tpu.memory_space<vmem>> -> memref<128xi32, #tpu.memory_space<vmem>>
      %dma_start3A_37 = arith.constant 0 : i32
      %dma_start3A_38 = arith.constant 0 : i32
      %dma_start3A_39 = tpu.memref_slice %arg3[%dma_start3A_37, %dma_start3A_38] : memref<1000000x16xf32, #tpu.memory_space<hbm>> -> memref<1000000x16xf32, #tpu.memory_space<hbm>>
      tpu.enqueue_indirect_dma source(%dma_start3A_39 : memref<1000000x16xf32, #tpu.memory_space<hbm>>) target(%dma_start3A_33 : memref<128x16xf32, #tpu.memory_space<vmem>>) offsets(%dma_start3A_36 : memref<128xi32, #tpu.memory_space<vmem>>) semaphore(%arg7 : memref<!tpu.dma_semaphore, #tpu.memory_space<semaphore_mem>>)
      %mul3A_40 = arith.constant 13 : i32
      %mul3A_41 = arith.muli %mul3A_10, %mul3A_40 : i32
      %add3A_42 = arith.constant 2 : i32
      %add3A_43 = arith.addi %mul3A_41, %add3A_42 : i32
      %dma_start3A_44 = arith.constant 0 : i32
      %dma_start3A_45 = arith.constant 256 : i32
      %dma_start3A_46 = arith.constant 0 : i32
      %dma_start3A_47 = tpu.memref_slice %arg6[%dma_start3A_44, %dma_start3A_45, %dma_start3A_46] : memref<2x1664x16xf32, #tpu.memory_space<vmem>> -> memref<1x128x16xf32, #tpu.memory_space<vmem>>
      %dma_start3A_48 = tpu.memref_squeeze %dma_start3A_47 : memref<1x128x16xf32, #tpu.memory_space<vmem>> -> memref<128x16xf32, #tpu.memory_space<vmem>>
      %dma_start3A_49 = arith.constant 0 : i32
      %dma_start3A_50 = tpu.memref_slice %arg5[%add3A_43, %dma_start3A_49] : memref<104x128xi32, #tpu.memory_space<vmem>> -> memref<1x128xi32, #tpu.memory_space<vmem>>
      %dma_start3A_51 = tpu.memref_squeeze %dma_start3A_50 : memref<1x128xi32, #tpu.memory_space<vmem>> -> memref<128xi32, #tpu.memory_space<vmem>>
      %dma_start3A_52 = arith.constant 0 : i32
      %dma_start3A_53 = arith.constant 0 : i32
      %dma_start3A_54 = tpu.memref_slice %arg3[%dma_start3A_52, %dma_start3A_53] : memref<1000000x16xf32, #tpu.memory_space<hbm>> -> memref<1000000x16xf32, #tpu.memory_space<hbm>>
      tpu.enqueue_indirect_dma source(%dma_start3A_54 : memref<1000000x16xf32, #tpu.memory_space<hbm>>) target(%dma_start3A_48 : memref<128x16xf32, #tpu.memory_space<vmem>>) offsets(%dma_start3A_51 : memref<128xi32, #tpu.memory_space<vmem>>) semaphore(%arg7 : memref<!tpu.dma_semaphore, #tpu.memory_space<semaphore_mem>>)
      %mul3A_55 = arith.constant 13 : i32
      %mul3A_56 = arith.muli %mul3A_10, %mul3A_55 : i32
      %add3A_57 = arith.constant 3 : i32
      %add3A_58 = arith.addi %mul3A_56, %add3A_57 : i32
      %dma_start3A_59 = arith.constant 0 : i32
      %dma_start3A_60 = arith.constant 384 : i32
      %dma_start3A_61 = arith.constant 0 : i32
      %dma_start3A_62 = tpu.memref_slice %arg6[%dma_start3A_59, %dma_start3A_60, %dma_start3A_61] : memref<2x1664x16xf32, #tpu.memory_space<vmem>> -> memref<1x128x16xf32, #tpu.memory_space<vmem>>
      %dma_start3A_63 = tpu.memref_squeeze %dma_start3A_62 : memref<1x128x16xf32, #tpu.memory_space<vmem>> -> memref<128x16xf32, #tpu.memory_space<vmem>>
      %dma_start3A_64 = arith.constant 0 : i32
      %dma_start3A_65 = tpu.memref_slice %arg5[%add3A_58, %dma_start3A_64] : memref<104x128xi32, #tpu.memory_space<vmem>> -> memref<1x128xi32, #tpu.memory_space<vmem>>
      %dma_start3A_66 = tpu.memref_squeeze %dma_start3A_65 : memref<1x128xi32, #tpu.memory_space<vmem>> -> memref<128xi32, #tpu.memory_space<vmem>>
      %dma_start3A_67 = arith.constant 0 : i32
      %dma_start3A_68 = arith.constant 0 : i32
      %dma_start3A_69 = tpu.memref_slice %arg3[%dma_start3A_67, %dma_start3A_68] : memref<1000000x16xf32, #tpu.memory_space<hbm>> -> memref<1000000x16xf32, #tpu.memory_space<hbm>>
      tpu.enqueue_indirect_dma source(%dma_start3A_69 : memref<1000000x16xf32, #tpu.memory_space<hbm>>) target(%dma_start3A_63 : memref<128x16xf32, #tpu.memory_space<vmem>>) offsets(%dma_start3A_66 : memref<128xi32, #tpu.memory_space<vmem>>) semaphore(%arg7 : memref<!tpu.dma_semaphore, #tpu.memory_space<semaphore_mem>>)
      %mul3A_70 = arith.constant 13 : i32
      %mul3A_71 = arith.muli %mul3A_10, %mul3A_70 : i32
      %add3A_72 = arith.constant 4 : i32
      %add3A_73 = arith.addi %mul3A_71, %add3A_72 : i32
      %dma_start3A_74 = arith.constant 0 : i32
      %dma_start3A_75 = arith.constant 512 : i32
      %dma_start3A_76 = arith.constant 0 : i32
      %dma_start3A_77 = tpu.memref_slice %arg6[%dma_start3A_74, %dma_start3A_75, %dma_start3A_76] : memref<2x1664x16xf32, #tpu.memory_space<vmem>> -> memref<1x128x16xf32, #tpu.memory_space<vmem>>
      %dma_start3A_78 = tpu.memref_squeeze %dma_start3A_77 : memref<1x128x16xf32, #tpu.memory_space<vmem>> -> memref<128x16xf32, #tpu.memory_space<vmem>>
      %dma_start3A_79 = arith.constant 0 : i32
      %dma_start3A_80 = tpu.memref_slice %arg5[%add3A_73, %dma_start3A_79] : memref<104x128xi32, #tpu.memory_space<vmem>> -> memref<1x128xi32, #tpu.memory_space<vmem>>
      %dma_start3A_81 = tpu.memref_squeeze %dma_start3A_80 : memref<1x128xi32, #tpu.memory_space<vmem>> -> memref<128xi32, #tpu.memory_space<vmem>>
      %dma_start3A_82 = arith.constant 0 : i32
      %dma_start3A_83 = arith.constant 0 : i32
      %dma_start3A_84 = tpu.memref_slice %arg3[%dma_start3A_82, %dma_start3A_83] : memref<1000000x16xf32, #tpu.memory_space<hbm>> -> memref<1000000x16xf32, #tpu.memory_space<hbm>>
      tpu.enqueue_indirect_dma source(%dma_start3A_84 : memref<1000000x16xf32, #tpu.memory_space<hbm>>) target(%dma_start3A_78 : memref<128x16xf32, #tpu.memory_space<vmem>>) offsets(%dma_start3A_81 : memref<128xi32, #tpu.memory_space<vmem>>) semaphore(%arg7 : memref<!tpu.dma_semaphore, #tpu.memory_space<semaphore_mem>>)
      %mul3A_85 = arith.constant 13 : i32
      %mul3A_86 = arith.muli %mul3A_10, %mul3A_85 : i32
      %add3A_87 = arith.constant 5 : i32
      %add3A_88 = arith.addi %mul3A_86, %add3A_87 : i32
      %dma_start3A_89 = arith.constant 0 : i32
      %dma_start3A_90 = arith.constant 640 : i32
      %dma_start3A_91 = arith.constant 0 : i32
      %dma_start3A_92 = tpu.memref_slice %arg6[%dma_start3A_89, %dma_start3A_90, %dma_start3A_91] : memref<2x1664x16xf32, #tpu.memory_space<vmem>> -> memref<1x128x16xf32, #tpu.memory_space<vmem>>
      %dma_start3A_93 = tpu.memref_squeeze %dma_start3A_92 : memref<1x128x16xf32, #tpu.memory_space<vmem>> -> memref<128x16xf32, #tpu.memory_space<vmem>>
      %dma_start3A_94 = arith.constant 0 : i32
      %dma_start3A_95 = tpu.memref_slice %arg5[%add3A_88, %dma_start3A_94] : memref<104x128xi32, #tpu.memory_space<vmem>> -> memref<1x128xi32, #tpu.memory_space<vmem>>
      %dma_start3A_96 = tpu.memref_squeeze %dma_start3A_95 : memref<1x128xi32, #tpu.memory_space<vmem>> -> memref<128xi32, #tpu.memory_space<vmem>>
      %dma_start3A_97 = arith.constant 0 : i32
      %dma_start3A_98 = arith.constant 0 : i32
      %dma_start3A_99 = tpu.memref_slice %arg3[%dma_start3A_97, %dma_start3A_98] : memref<1000000x16xf32, #tpu.memory_space<hbm>> -> memref<1000000x16xf32, #tpu.memory_space<hbm>>
      tpu.enqueue_indirect_dma source(%dma_start3A_99 : memref<1000000x16xf32, #tpu.memory_space<hbm>>) target(%dma_start3A_93 : memref<128x16xf32, #tpu.memory_space<vmem>>) offsets(%dma_start3A_96 : memref<128xi32, #tpu.memory_space<vmem>>) semaphore(%arg7 : memref<!tpu.dma_semaphore, #tpu.memory_space<semaphore_mem>>)
      %mul3A_100 = arith.constant 13 : i32
      %mul3A_101 = arith.muli %mul3A_10, %mul3A_100 : i32
      %add3A_102 = arith.constant 6 : i32
      %add3A_103 = arith.addi %mul3A_101, %add3A_102 : i32
      %dma_start3A_104 = arith.constant 0 : i32
      %dma_start3A_105 = arith.constant 768 : i32
      %dma_start3A_106 = arith.constant 0 : i32
      %dma_start3A_107 = tpu.memref_slice %arg6[%dma_start3A_104, %dma_start3A_105, %dma_start3A_106] : memref<2x1664x16xf32, #tpu.memory_space<vmem>> -> memref<1x128x16xf32, #tpu.memory_space<vmem>>
      %dma_start3A_108 = tpu.memref_squeeze %dma_start3A_107 : memref<1x128x16xf32, #tpu.memory_space<vmem>> -> memref<128x16xf32, #tpu.memory_space<vmem>>
      %dma_start3A_109 = arith.constant 0 : i32
      %dma_start3A_110 = tpu.memref_slice %arg5[%add3A_103, %dma_start3A_109] : memref<104x128xi32, #tpu.memory_space<vmem>> -> memref<1x128xi32, #tpu.memory_space<vmem>>
      %dma_start3A_111 = tpu.memref_squeeze %dma_start3A_110 : memref<1x128xi32, #tpu.memory_space<vmem>> -> memref<128xi32, #tpu.memory_space<vmem>>
      %dma_start3A_112 = arith.constant 0 : i32
      %dma_start3A_113 = arith.constant 0 : i32
      %dma_start3A_114 = tpu.memref_slice %arg3[%dma_start3A_112, %dma_start3A_113] : memref<1000000x16xf32, #tpu.memory_space<hbm>> -> memref<1000000x16xf32, #tpu.memory_space<hbm>>
      tpu.enqueue_indirect_dma source(%dma_start3A_114 : memref<1000000x16xf32, #tpu.memory_space<hbm>>) target(%dma_start3A_108 : memref<128x16xf32, #tpu.memory_space<vmem>>) offsets(%dma_start3A_111 : memref<128xi32, #tpu.memory_space<vmem>>) semaphore(%arg7 : memref<!tpu.dma_semaphore, #tpu.memory_space<semaphore_mem>>)
      %mul3A_115 = arith.constant 13 : i32
      %mul3A_116 = arith.muli %mul3A_10, %mul3A_115 : i32
      %add3A_117 = arith.constant 7 : i32
      %add3A_118 = arith.addi %mul3A_116, %add3A_117 : i32
      %dma_start3A_119 = arith.constant 0 : i32
      %dma_start3A_120 = arith.constant 896 : i32
      %dma_start3A_121 = arith.constant 0 : i32
      %dma_start3A_122 = tpu.memref_slice %arg6[%dma_start3A_119, %dma_start3A_120, %dma_start3A_121] : memref<2x1664x16xf32, #tpu.memory_space<vmem>> -> memref<1x128x16xf32, #tpu.memory_space<vmem>>
      %dma_start3A_123 = tpu.memref_squeeze %dma_start3A_122 : memref<1x128x16xf32, #tpu.memory_space<vmem>> -> memref<128x16xf32, #tpu.memory_space<vmem>>
      %dma_start3A_124 = arith.constant 0 : i32
      %dma_start3A_125 = tpu.memref_slice %arg5[%add3A_118, %dma_start3A_124] : memref<104x128xi32, #tpu.memory_space<vmem>> -> memref<1x128xi32, #tpu.memory_space<vmem>>
      %dma_start3A_126 = tpu.memref_squeeze %dma_start3A_125 : memref<1x128xi32, #tpu.memory_space<vmem>> -> memref<128xi32, #tpu.memory_space<vmem>>
      %dma_start3A_127 = arith.constant 0 : i32
      %dma_start3A_128 = arith.constant 0 : i32
      %dma_start3A_129 = tpu.memref_slice %arg3[%dma_start3A_127, %dma_start3A_128] : memref<1000000x16xf32, #tpu.memory_space<hbm>> -> memref<1000000x16xf32, #tpu.memory_space<hbm>>
      tpu.enqueue_indirect_dma source(%dma_start3A_129 : memref<1000000x16xf32, #tpu.memory_space<hbm>>) target(%dma_start3A_123 : memref<128x16xf32, #tpu.memory_space<vmem>>) offsets(%dma_start3A_126 : memref<128xi32, #tpu.memory_space<vmem>>) semaphore(%arg7 : memref<!tpu.dma_semaphore, #tpu.memory_space<semaphore_mem>>)
      %mul3A_130 = arith.constant 13 : i32
      %mul3A_131 = arith.muli %mul3A_10, %mul3A_130 : i32
      %add3A_132 = arith.constant 8 : i32
      %add3A_133 = arith.addi %mul3A_131, %add3A_132 : i32
      %dma_start3A_134 = arith.constant 0 : i32
      %dma_start3A_135 = arith.constant 1024 : i32
      %dma_start3A_136 = arith.constant 0 : i32
      %dma_start3A_137 = tpu.memref_slice %arg6[%dma_start3A_134, %dma_start3A_135, %dma_start3A_136] : memref<2x1664x16xf32, #tpu.memory_space<vmem>> -> memref<1x128x16xf32, #tpu.memory_space<vmem>>
      %dma_start3A_138 = tpu.memref_squeeze %dma_start3A_137 : memref<1x128x16xf32, #tpu.memory_space<vmem>> -> memref<128x16xf32, #tpu.memory_space<vmem>>
      %dma_start3A_139 = arith.constant 0 : i32
      %dma_start3A_140 = tpu.memref_slice %arg5[%add3A_133, %dma_start3A_139] : memref<104x128xi32, #tpu.memory_space<vmem>> -> memref<1x128xi32, #tpu.memory_space<vmem>>
      %dma_start3A_141 = tpu.memref_squeeze %dma_start3A_140 : memref<1x128xi32, #tpu.memory_space<vmem>> -> memref<128xi32, #tpu.memory_space<vmem>>
      %dma_start3A_142 = arith.constant 0 : i32
      %dma_start3A_143 = arith.constant 0 : i32
      %dma_start3A_144 = tpu.memref_slice %arg3[%dma_start3A_142, %dma_start3A_143] : memref<1000000x16xf32, #tpu.memory_space<hbm>> -> memref<1000000x16xf32, #tpu.memory_space<hbm>>
      tpu.enqueue_indirect_dma source(%dma_start3A_144 : memref<1000000x16xf32, #tpu.memory_space<hbm>>) target(%dma_start3A_138 : memref<128x16xf32, #tpu.memory_space<vmem>>) offsets(%dma_start3A_141 : memref<128xi32, #tpu.memory_space<vmem>>) semaphore(%arg7 : memref<!tpu.dma_semaphore, #tpu.memory_space<semaphore_mem>>)
      %mul3A_145 = arith.constant 13 : i32
      %mul3A_146 = arith.muli %mul3A_10, %mul3A_145 : i32
      %add3A_147 = arith.constant 9 : i32
      %add3A_148 = arith.addi %mul3A_146, %add3A_147 : i32
      %dma_start3A_149 = arith.constant 0 : i32
      %dma_start3A_150 = arith.constant 1152 : i32
      %dma_start3A_151 = arith.constant 0 : i32
      %dma_start3A_152 = tpu.memref_slice %arg6[%dma_start3A_149, %dma_start3A_150, %dma_start3A_151] : memref<2x1664x16xf32, #tpu.memory_space<vmem>> -> memref<1x128x16xf32, #tpu.memory_space<vmem>>
      %dma_start3A_153 = tpu.memref_squeeze %dma_start3A_152 : memref<1x128x16xf32, #tpu.memory_space<vmem>> -> memref<128x16xf32, #tpu.memory_space<vmem>>
      %dma_start3A_154 = arith.constant 0 : i32
      %dma_start3A_155 = tpu.memref_slice %arg5[%add3A_148, %dma_start3A_154] : memref<104x128xi32, #tpu.memory_space<vmem>> -> memref<1x128xi32, #tpu.memory_space<vmem>>
      %dma_start3A_156 = tpu.memref_squeeze %dma_start3A_155 : memref<1x128xi32, #tpu.memory_space<vmem>> -> memref<128xi32, #tpu.memory_space<vmem>>
      %dma_start3A_157 = arith.constant 0 : i32
      %dma_start3A_158 = arith.constant 0 : i32
      %dma_start3A_159 = tpu.memref_slice %arg3[%dma_start3A_157, %dma_start3A_158] : memref<1000000x16xf32, #tpu.memory_space<hbm>> -> memref<1000000x16xf32, #tpu.memory_space<hbm>>
      tpu.enqueue_indirect_dma source(%dma_start3A_159 : memref<1000000x16xf32, #tpu.memory_space<hbm>>) target(%dma_start3A_153 : memref<128x16xf32, #tpu.memory_space<vmem>>) offsets(%dma_start3A_156 : memref<128xi32, #tpu.memory_space<vmem>>) semaphore(%arg7 : memref<!tpu.dma_semaphore, #tpu.memory_space<semaphore_mem>>)
      %mul3A_160 = arith.constant 13 : i32
      %mul3A_161 = arith.muli %mul3A_10, %mul3A_160 : i32
      %add3A_162 = arith.constant 10 : i32
      %add3A_163 = arith.addi %mul3A_161, %add3A_162 : i32
      %dma_start3A_164 = arith.constant 0 : i32
      %dma_start3A_165 = arith.constant 1280 : i32
      %dma_start3A_166 = arith.constant 0 : i32
      %dma_start3A_167 = tpu.memref_slice %arg6[%dma_start3A_164, %dma_start3A_165, %dma_start3A_166] : memref<2x1664x16xf32, #tpu.memory_space<vmem>> -> memref<1x128x16xf32, #tpu.memory_space<vmem>>
      %dma_start3A_168 = tpu.memref_squeeze %dma_start3A_167 : memref<1x128x16xf32, #tpu.memory_space<vmem>> -> memref<128x16xf32, #tpu.memory_space<vmem>>
      %dma_start3A_169 = arith.constant 0 : i32
      %dma_start3A_170 = tpu.memref_slice %arg5[%add3A_163, %dma_start3A_169] : memref<104x128xi32, #tpu.memory_space<vmem>> -> memref<1x128xi32, #tpu.memory_space<vmem>>
      %dma_start3A_171 = tpu.memref_squeeze %dma_start3A_170 : memref<1x128xi32, #tpu.memory_space<vmem>> -> memref<128xi32, #tpu.memory_space<vmem>>
      %dma_start3A_172 = arith.constant 0 : i32
      %dma_start3A_173 = arith.constant 0 : i32
      %dma_start3A_174 = tpu.memref_slice %arg3[%dma_start3A_172, %dma_start3A_173] : memref<1000000x16xf32, #tpu.memory_space<hbm>> -> memref<1000000x16xf32, #tpu.memory_space<hbm>>
      tpu.enqueue_indirect_dma source(%dma_start3A_174 : memref<1000000x16xf32, #tpu.memory_space<hbm>>) target(%dma_start3A_168 : memref<128x16xf32, #tpu.memory_space<vmem>>) offsets(%dma_start3A_171 : memref<128xi32, #tpu.memory_space<vmem>>) semaphore(%arg7 : memref<!tpu.dma_semaphore, #tpu.memory_space<semaphore_mem>>)
      %mul3A_175 = arith.constant 13 : i32
      %mul3A_176 = arith.muli %mul3A_10, %mul3A_175 : i32
      %add3A_177 = arith.constant 11 : i32
      %add3A_178 = arith.addi %mul3A_176, %add3A_177 : i32
      %dma_start3A_179 = arith.constant 0 : i32
      %dma_start3A_180 = arith.constant 1408 : i32
      %dma_start3A_181 = arith.constant 0 : i32
      %dma_start3A_182 = tpu.memref_slice %arg6[%dma_start3A_179, %dma_start3A_180, %dma_start3A_181] : memref<2x1664x16xf32, #tpu.memory_space<vmem>> -> memref<1x128x16xf32, #tpu.memory_space<vmem>>
      %dma_start3A_183 = tpu.memref_squeeze %dma_start3A_182 : memref<1x128x16xf32, #tpu.memory_space<vmem>> -> memref<128x16xf32, #tpu.memory_space<vmem>>
      %dma_start3A_184 = arith.constant 0 : i32
      %dma_start3A_185 = tpu.memref_slice %arg5[%add3A_178, %dma_start3A_184] : memref<104x128xi32, #tpu.memory_space<vmem>> -> memref<1x128xi32, #tpu.memory_space<vmem>>
      %dma_start3A_186 = tpu.memref_squeeze %dma_start3A_185 : memref<1x128xi32, #tpu.memory_space<vmem>> -> memref<128xi32, #tpu.memory_space<vmem>>
      %dma_start3A_187 = arith.constant 0 : i32
      %dma_start3A_188 = arith.constant 0 : i32
      %dma_start3A_189 = tpu.memref_slice %arg3[%dma_start3A_187, %dma_start3A_188] : memref<1000000x16xf32, #tpu.memory_space<hbm>> -> memref<1000000x16xf32, #tpu.memory_space<hbm>>
      tpu.enqueue_indirect_dma source(%dma_start3A_189 : memref<1000000x16xf32, #tpu.memory_space<hbm>>) target(%dma_start3A_183 : memref<128x16xf32, #tpu.memory_space<vmem>>) offsets(%dma_start3A_186 : memref<128xi32, #tpu.memory_space<vmem>>) semaphore(%arg7 : memref<!tpu.dma_semaphore, #tpu.memory_space<semaphore_mem>>)
      %mul3A_190 = arith.constant 13 : i32
      %mul3A_191 = arith.muli %mul3A_10, %mul3A_190 : i32
      %add3A_192 = arith.constant 12 : i32
      %add3A_193 = arith.addi %mul3A_191, %add3A_192 : i32
      %dma_start3A_194 = arith.constant 0 : i32
      %dma_start3A_195 = arith.constant 1536 : i32
      %dma_start3A_196 = arith.constant 0 : i32
      %dma_start3A_197 = tpu.memref_slice %arg6[%dma_start3A_194, %dma_start3A_195, %dma_start3A_196] : memref<2x1664x16xf32, #tpu.memory_space<vmem>> -> memref<1x128x16xf32, #tpu.memory_space<vmem>>
      %dma_start3A_198 = tpu.memref_squeeze %dma_start3A_197 : memref<1x128x16xf32, #tpu.memory_space<vmem>> -> memref<128x16xf32, #tpu.memory_space<vmem>>
      %dma_start3A_199 = arith.constant 0 : i32
      %dma_start3A_200 = tpu.memref_slice %arg5[%add3A_193, %dma_start3A_199] : memref<104x128xi32, #tpu.memory_space<vmem>> -> memref<1x128xi32, #tpu.memory_space<vmem>>
      %dma_start3A_201 = tpu.memref_squeeze %dma_start3A_200 : memref<1x128xi32, #tpu.memory_space<vmem>> -> memref<128xi32, #tpu.memory_space<vmem>>
      %dma_start3A_202 = arith.constant 0 : i32
      %dma_start3A_203 = arith.constant 0 : i32
      %dma_start3A_204 = tpu.memref_slice %arg3[%dma_start3A_202, %dma_start3A_203] : memref<1000000x16xf32, #tpu.memory_space<hbm>> -> memref<1000000x16xf32, #tpu.memory_space<hbm>>
      tpu.enqueue_indirect_dma source(%dma_start3A_204 : memref<1000000x16xf32, #tpu.memory_space<hbm>>) target(%dma_start3A_198 : memref<128x16xf32, #tpu.memory_space<vmem>>) offsets(%dma_start3A_201 : memref<128xi32, #tpu.memory_space<vmem>>) semaphore(%arg7 : memref<!tpu.dma_semaphore, #tpu.memory_space<semaphore_mem>>)
      %dma_wait3A = arith.constant 0 : i32
      %dma_wait3A_205 = arith.constant 0 : i32
      %dma_wait3A_206 = arith.constant 0 : i32
      %dma_wait3A_207 = tpu.memref_slice %arg6[%dma_wait3A, %dma_wait3A_205, %dma_wait3A_206] : memref<2x1664x16xf32, #tpu.memory_space<vmem>> -> memref<1x128x16xf32, #tpu.memory_space<vmem>>
      %dma_wait3A_208 = tpu.memref_squeeze %dma_wait3A_207 : memref<1x128x16xf32, #tpu.memory_space<vmem>> -> memref<128x16xf32, #tpu.memory_space<vmem>>
      %dma_wait3A_209 = arith.constant 0 : i32
      %dma_wait3A_210 = tpu.memref_slice %arg5[%add3A_14, %dma_wait3A_209] : memref<104x128xi32, #tpu.memory_space<vmem>> -> memref<1x128xi32, #tpu.memory_space<vmem>>
      %dma_wait3A_211 = tpu.memref_squeeze %dma_wait3A_210 : memref<1x128xi32, #tpu.memory_space<vmem>> -> memref<128xi32, #tpu.memory_space<vmem>>
      %dma_wait3A_212 = arith.constant 0 : i32
      %dma_wait3A_213 = arith.constant 0 : i32
      %dma_wait3A_214 = tpu.memref_slice %arg3[%dma_wait3A_212, %dma_wait3A_213] : memref<1000000x16xf32, #tpu.memory_space<hbm>> -> memref<1000000x16xf32, #tpu.memory_space<hbm>>
      tpu.wait_indirect_dma semaphore(%arg7 : memref<!tpu.dma_semaphore, #tpu.memory_space<semaphore_mem>>) src(%dma_wait3A_214 : memref<1000000x16xf32, #tpu.memory_space<hbm>>) dst(%dma_wait3A_208 : memref<128x16xf32, #tpu.memory_space<vmem>>)
      %dma_wait3A_215 = arith.constant 0 : i32
      %dma_wait3A_216 = arith.constant 128 : i32
      %dma_wait3A_217 = arith.constant 0 : i32
      %dma_wait3A_218 = tpu.memref_slice %arg6[%dma_wait3A_215, %dma_wait3A_216, %dma_wait3A_217] : memref<2x1664x16xf32, #tpu.memory_space<vmem>> -> memref<1x128x16xf32, #tpu.memory_space<vmem>>
      %dma_wait3A_219 = tpu.memref_squeeze %dma_wait3A_218 : memref<1x128x16xf32, #tpu.memory_space<vmem>> -> memref<128x16xf32, #tpu.memory_space<vmem>>
      %dma_wait3A_220 = arith.constant 0 : i32
      %dma_wait3A_221 = tpu.memref_slice %arg5[%add3A_28, %dma_wait3A_220] : memref<104x128xi32, #tpu.memory_space<vmem>> -> memref<1x128xi32, #tpu.memory_space<vmem>>
      %dma_wait3A_222 = tpu.memref_squeeze %dma_wait3A_221 : memref<1x128xi32, #tpu.memory_space<vmem>> -> memref<128xi32, #tpu.memory_space<vmem>>
      %dma_wait3A_223 = arith.constant 0 : i32
      %dma_wait3A_224 = arith.constant 0 : i32
      %dma_wait3A_225 = tpu.memref_slice %arg3[%dma_wait3A_223, %dma_wait3A_224] : memref<1000000x16xf32, #tpu.memory_space<hbm>> -> memref<1000000x16xf32, #tpu.memory_space<hbm>>
      tpu.wait_indirect_dma semaphore(%arg7 : memref<!tpu.dma_semaphore, #tpu.memory_space<semaphore_mem>>) src(%dma_wait3A_225 : memref<1000000x16xf32, #tpu.memory_space<hbm>>) dst(%dma_wait3A_219 : memref<128x16xf32, #tpu.memory_space<vmem>>)
      %dma_wait3A_226 = arith.constant 0 : i32
      %dma_wait3A_227 = arith.constant 256 : i32
      %dma_wait3A_228 = arith.constant 0 : i32
      %dma_wait3A_229 = tpu.memref_slice %arg6[%dma_wait3A_226, %dma_wait3A_227, %dma_wait3A_228] : memref<2x1664x16xf32, #tpu.memory_space<vmem>> -> memref<1x128x16xf32, #tpu.memory_space<vmem>>
      %dma_wait3A_230 = tpu.memref_squeeze %dma_wait3A_229 : memref<1x128x16xf32, #tpu.memory_space<vmem>> -> memref<128x16xf32, #tpu.memory_space<vmem>>
      %dma_wait3A_231 = arith.constant 0 : i32
      %dma_wait3A_232 = tpu.memref_slice %arg5[%add3A_43, %dma_wait3A_231] : memref<104x128xi32, #tpu.memory_space<vmem>> -> memref<1x128xi32, #tpu.memory_space<vmem>>
      %dma_wait3A_233 = tpu.memref_squeeze %dma_wait3A_232 : memref<1x128xi32, #tpu.memory_space<vmem>> -> memref<128xi32, #tpu.memory_space<vmem>>
      %dma_wait3A_234 = arith.constant 0 : i32
      %dma_wait3A_235 = arith.constant 0 : i32
      %dma_wait3A_236 = tpu.memref_slice %arg3[%dma_wait3A_234, %dma_wait3A_235] : memref<1000000x16xf32, #tpu.memory_space<hbm>> -> memref<1000000x16xf32, #tpu.memory_space<hbm>>
      tpu.wait_indirect_dma semaphore(%arg7 : memref<!tpu.dma_semaphore, #tpu.memory_space<semaphore_mem>>) src(%dma_wait3A_236 : memref<1000000x16xf32, #tpu.memory_space<hbm>>) dst(%dma_wait3A_230 : memref<128x16xf32, #tpu.memory_space<vmem>>)
      %dma_wait3A_237 = arith.constant 0 : i32
      %dma_wait3A_238 = arith.constant 384 : i32
      %dma_wait3A_239 = arith.constant 0 : i32
      %dma_wait3A_240 = tpu.memref_slice %arg6[%dma_wait3A_237, %dma_wait3A_238, %dma_wait3A_239] : memref<2x1664x16xf32, #tpu.memory_space<vmem>> -> memref<1x128x16xf32, #tpu.memory_space<vmem>>
      %dma_wait3A_241 = tpu.memref_squeeze %dma_wait3A_240 : memref<1x128x16xf32, #tpu.memory_space<vmem>> -> memref<128x16xf32, #tpu.memory_space<vmem>>
      %dma_wait3A_242 = arith.constant 0 : i32
      %dma_wait3A_243 = tpu.memref_slice %arg5[%add3A_58, %dma_wait3A_242] : memref<104x128xi32, #tpu.memory_space<vmem>> -> memref<1x128xi32, #tpu.memory_space<vmem>>
      %dma_wait3A_244 = tpu.memref_squeeze %dma_wait3A_243 : memref<1x128xi32, #tpu.memory_space<vmem>> -> memref<128xi32, #tpu.memory_space<vmem>>
      %dma_wait3A_245 = arith.constant 0 : i32
      %dma_wait3A_246 = arith.constant 0 : i32
      %dma_wait3A_247 = tpu.memref_slice %arg3[%dma_wait3A_245, %dma_wait3A_246] : memref<1000000x16xf32, #tpu.memory_space<hbm>> -> memref<1000000x16xf32, #tpu.memory_space<hbm>>
      tpu.wait_indirect_dma semaphore(%arg7 : memref<!tpu.dma_semaphore, #tpu.memory_space<semaphore_mem>>) src(%dma_wait3A_247 : memref<1000000x16xf32, #tpu.memory_space<hbm>>) dst(%dma_wait3A_241 : memref<128x16xf32, #tpu.memory_space<vmem>>)
      %dma_wait3A_248 = arith.constant 0 : i32
      %dma_wait3A_249 = arith.constant 512 : i32
      %dma_wait3A_250 = arith.constant 0 : i32
      %dma_wait3A_251 = tpu.memref_slice %arg6[%dma_wait3A_248, %dma_wait3A_249, %dma_wait3A_250] : memref<2x1664x16xf32, #tpu.memory_space<vmem>> -> memref<1x128x16xf32, #tpu.memory_space<vmem>>
      %dma_wait3A_252 = tpu.memref_squeeze %dma_wait3A_251 : memref<1x128x16xf32, #tpu.memory_space<vmem>> -> memref<128x16xf32, #tpu.memory_space<vmem>>
      %dma_wait3A_253 = arith.constant 0 : i32
      %dma_wait3A_254 = tpu.memref_slice %arg5[%add3A_73, %dma_wait3A_253] : memref<104x128xi32, #tpu.memory_space<vmem>> -> memref<1x128xi32, #tpu.memory_space<vmem>>
      %dma_wait3A_255 = tpu.memref_squeeze %dma_wait3A_254 : memref<1x128xi32, #tpu.memory_space<vmem>> -> memref<128xi32, #tpu.memory_space<vmem>>
      %dma_wait3A_256 = arith.constant 0 : i32
      %dma_wait3A_257 = arith.constant 0 : i32
      %dma_wait3A_258 = tpu.memref_slice %arg3[%dma_wait3A_256, %dma_wait3A_257] : memref<1000000x16xf32, #tpu.memory_space<hbm>> -> memref<1000000x16xf32, #tpu.memory_space<hbm>>
      tpu.wait_indirect_dma semaphore(%arg7 : memref<!tpu.dma_semaphore, #tpu.memory_space<semaphore_mem>>) src(%dma_wait3A_258 : memref<1000000x16xf32, #tpu.memory_space<hbm>>) dst(%dma_wait3A_252 : memref<128x16xf32, #tpu.memory_space<vmem>>)
      %dma_wait3A_259 = arith.constant 0 : i32
      %dma_wait3A_260 = arith.constant 640 : i32
      %dma_wait3A_261 = arith.constant 0 : i32
      %dma_wait3A_262 = tpu.memref_slice %arg6[%dma_wait3A_259, %dma_wait3A_260, %dma_wait3A_261] : memref<2x1664x16xf32, #tpu.memory_space<vmem>> -> memref<1x128x16xf32, #tpu.memory_space<vmem>>
      %dma_wait3A_263 = tpu.memref_squeeze %dma_wait3A_262 : memref<1x128x16xf32, #tpu.memory_space<vmem>> -> memref<128x16xf32, #tpu.memory_space<vmem>>
      %dma_wait3A_264 = arith.constant 0 : i32
      %dma_wait3A_265 = tpu.memref_slice %arg5[%add3A_88, %dma_wait3A_264] : memref<104x128xi32, #tpu.memory_space<vmem>> -> memref<1x128xi32, #tpu.memory_space<vmem>>
      %dma_wait3A_266 = tpu.memref_squeeze %dma_wait3A_265 : memref<1x128xi32, #tpu.memory_space<vmem>> -> memref<128xi32, #tpu.memory_space<vmem>>
      %dma_wait3A_267 = arith.constant 0 : i32
      %dma_wait3A_268 = arith.constant 0 : i32
      %dma_wait3A_269 = tpu.memref_slice %arg3[%dma_wait3A_267, %dma_wait3A_268] : memref<1000000x16xf32, #tpu.memory_space<hbm>> -> memref<1000000x16xf32, #tpu.memory_space<hbm>>
      tpu.wait_indirect_dma semaphore(%arg7 : memref<!tpu.dma_semaphore, #tpu.memory_space<semaphore_mem>>) src(%dma_wait3A_269 : memref<1000000x16xf32, #tpu.memory_space<hbm>>) dst(%dma_wait3A_263 : memref<128x16xf32, #tpu.memory_space<vmem>>)
      %dma_wait3A_270 = arith.constant 0 : i32
      %dma_wait3A_271 = arith.constant 768 : i32
      %dma_wait3A_272 = arith.constant 0 : i32
      %dma_wait3A_273 = tpu.memref_slice %arg6[%dma_wait3A_270, %dma_wait3A_271, %dma_wait3A_272] : memref<2x1664x16xf32, #tpu.memory_space<vmem>> -> memref<1x128x16xf32, #tpu.memory_space<vmem>>
      %dma_wait3A_274 = tpu.memref_squeeze %dma_wait3A_273 : memref<1x128x16xf32, #tpu.memory_space<vmem>> -> memref<128x16xf32, #tpu.memory_space<vmem>>
      %dma_wait3A_275 = arith.constant 0 : i32
      %dma_wait3A_276 = tpu.memref_slice %arg5[%add3A_103, %dma_wait3A_275] : memref<104x128xi32, #tpu.memory_space<vmem>> -> memref<1x128xi32, #tpu.memory_space<vmem>>
      %dma_wait3A_277 = tpu.memref_squeeze %dma_wait3A_276 : memref<1x128xi32, #tpu.memory_space<vmem>> -> memref<128xi32, #tpu.memory_space<vmem>>
      %dma_wait3A_278 = arith.constant 0 : i32
      %dma_wait3A_279 = arith.constant 0 : i32
      %dma_wait3A_280 = tpu.memref_slice %arg3[%dma_wait3A_278, %dma_wait3A_279] : memref<1000000x16xf32, #tpu.memory_space<hbm>> -> memref<1000000x16xf32, #tpu.memory_space<hbm>>
      tpu.wait_indirect_dma semaphore(%arg7 : memref<!tpu.dma_semaphore, #tpu.memory_space<semaphore_mem>>) src(%dma_wait3A_280 : memref<1000000x16xf32, #tpu.memory_space<hbm>>) dst(%dma_wait3A_274 : memref<128x16xf32, #tpu.memory_space<vmem>>)
      %dma_wait3A_281 = arith.constant 0 : i32
      %dma_wait3A_282 = arith.constant 896 : i32
      %dma_wait3A_283 = arith.constant 0 : i32
      %dma_wait3A_284 = tpu.memref_slice %arg6[%dma_wait3A_281, %dma_wait3A_282, %dma_wait3A_283] : memref<2x1664x16xf32, #tpu.memory_space<vmem>> -> memref<1x128x16xf32, #tpu.memory_space<vmem>>
      %dma_wait3A_285 = tpu.memref_squeeze %dma_wait3A_284 : memref<1x128x16xf32, #tpu.memory_space<vmem>> -> memref<128x16xf32, #tpu.memory_space<vmem>>
      %dma_wait3A_286 = arith.constant 0 : i32
      %dma_wait3A_287 = tpu.memref_slice %arg5[%add3A_118, %dma_wait3A_286] : memref<104x128xi32, #tpu.memory_space<vmem>> -> memref<1x128xi32, #tpu.memory_space<vmem>>
      %dma_wait3A_288 = tpu.memref_squeeze %dma_wait3A_287 : memref<1x128xi32, #tpu.memory_space<vmem>> -> memref<128xi32, #tpu.memory_space<vmem>>
      %dma_wait3A_289 = arith.constant 0 : i32
      %dma_wait3A_290 = arith.constant 0 : i32
      %dma_wait3A_291 = tpu.memref_slice %arg3[%dma_wait3A_289, %dma_wait3A_290] : memref<1000000x16xf32, #tpu.memory_space<hbm>> -> memref<1000000x16xf32, #tpu.memory_space<hbm>>
      tpu.wait_indirect_dma semaphore(%arg7 : memref<!tpu.dma_semaphore, #tpu.memory_space<semaphore_mem>>) src(%dma_wait3A_291 : memref<1000000x16xf32, #tpu.memory_space<hbm>>) dst(%dma_wait3A_285 : memref<128x16xf32, #tpu.memory_space<vmem>>)
      %dma_wait3A_292 = arith.constant 0 : i32
      %dma_wait3A_293 = arith.constant 1024 : i32
      %dma_wait3A_294 = arith.constant 0 : i32
      %dma_wait3A_295 = tpu.memref_slice %arg6[%dma_wait3A_292, %dma_wait3A_293, %dma_wait3A_294] : memref<2x1664x16xf32, #tpu.memory_space<vmem>> -> memref<1x128x16xf32, #tpu.memory_space<vmem>>
      %dma_wait3A_296 = tpu.memref_squeeze %dma_wait3A_295 : memref<1x128x16xf32, #tpu.memory_space<vmem>> -> memref<128x16xf32, #tpu.memory_space<vmem>>
      %dma_wait3A_297 = arith.constant 0 : i32
      %dma_wait3A_298 = tpu.memref_slice %arg5[%add3A_133, %dma_wait3A_297] : memref<104x128xi32, #tpu.memory_space<vmem>> -> memref<1x128xi32, #tpu.memory_space<vmem>>
      %dma_wait3A_299 = tpu.memref_squeeze %dma_wait3A_298 : memref<1x128xi32, #tpu.memory_space<vmem>> -> memref<128xi32, #tpu.memory_space<vmem>>
      %dma_wait3A_300 = arith.constant 0 : i32
      %dma_wait3A_301 = arith.constant 0 : i32
      %dma_wait3A_302 = tpu.memref_slice %arg3[%dma_wait3A_300, %dma_wait3A_301] : memref<1000000x16xf32, #tpu.memory_space<hbm>> -> memref<1000000x16xf32, #tpu.memory_space<hbm>>
      tpu.wait_indirect_dma semaphore(%arg7 : memref<!tpu.dma_semaphore, #tpu.memory_space<semaphore_mem>>) src(%dma_wait3A_302 : memref<1000000x16xf32, #tpu.memory_space<hbm>>) dst(%dma_wait3A_296 : memref<128x16xf32, #tpu.memory_space<vmem>>)
      %dma_wait3A_303 = arith.constant 0 : i32
      %dma_wait3A_304 = arith.constant 1152 : i32
      %dma_wait3A_305 = arith.constant 0 : i32
      %dma_wait3A_306 = tpu.memref_slice %arg6[%dma_wait3A_303, %dma_wait3A_304, %dma_wait3A_305] : memref<2x1664x16xf32, #tpu.memory_space<vmem>> -> memref<1x128x16xf32, #tpu.memory_space<vmem>>
      %dma_wait3A_307 = tpu.memref_squeeze %dma_wait3A_306 : memref<1x128x16xf32, #tpu.memory_space<vmem>> -> memref<128x16xf32, #tpu.memory_space<vmem>>
      %dma_wait3A_308 = arith.constant 0 : i32
      %dma_wait3A_309 = tpu.memref_slice %arg5[%add3A_148, %dma_wait3A_308] : memref<104x128xi32, #tpu.memory_space<vmem>> -> memref<1x128xi32, #tpu.memory_space<vmem>>
      %dma_wait3A_310 = tpu.memref_squeeze %dma_wait3A_309 : memref<1x128xi32, #tpu.memory_space<vmem>> -> memref<128xi32, #tpu.memory_space<vmem>>
      %dma_wait3A_311 = arith.constant 0 : i32
      %dma_wait3A_312 = arith.constant 0 : i32
      %dma_wait3A_313 = tpu.memref_slice %arg3[%dma_wait3A_311, %dma_wait3A_312] : memref<1000000x16xf32, #tpu.memory_space<hbm>> -> memref<1000000x16xf32, #tpu.memory_space<hbm>>
      tpu.wait_indirect_dma semaphore(%arg7 : memref<!tpu.dma_semaphore, #tpu.memory_space<semaphore_mem>>) src(%dma_wait3A_313 : memref<1000000x16xf32, #tpu.memory_space<hbm>>) dst(%dma_wait3A_307 : memref<128x16xf32, #tpu.memory_space<vmem>>)
      %dma_wait3A_314 = arith.constant 0 : i32
      %dma_wait3A_315 = arith.constant 1280 : i32
      %dma_wait3A_316 = arith.constant 0 : i32
      %dma_wait3A_317 = tpu.memref_slice %arg6[%dma_wait3A_314, %dma_wait3A_315, %dma_wait3A_316] : memref<2x1664x16xf32, #tpu.memory_space<vmem>> -> memref<1x128x16xf32, #tpu.memory_space<vmem>>
      %dma_wait3A_318 = tpu.memref_squeeze %dma_wait3A_317 : memref<1x128x16xf32, #tpu.memory_space<vmem>> -> memref<128x16xf32, #tpu.memory_space<vmem>>
      %dma_wait3A_319 = arith.constant 0 : i32
      %dma_wait3A_320 = tpu.memref_slice %arg5[%add3A_163, %dma_wait3A_319] : memref<104x128xi32, #tpu.memory_space<vmem>> -> memref<1x128xi32, #tpu.memory_space<vmem>>
      %dma_wait3A_321 = tpu.memref_squeeze %dma_wait3A_320 : memref<1x128xi32, #tpu.memory_space<vmem>> -> memref<128xi32, #tpu.memory_space<vmem>>
      %dma_wait3A_322 = arith.constant 0 : i32
      %dma_wait3A_323 = arith.constant 0 : i32
      %dma_wait3A_324 = tpu.memref_slice %arg3[%dma_wait3A_322, %dma_wait3A_323] : memref<1000000x16xf32, #tpu.memory_space<hbm>> -> memref<1000000x16xf32, #tpu.memory_space<hbm>>
      tpu.wait_indirect_dma semaphore(%arg7 : memref<!tpu.dma_semaphore, #tpu.memory_space<semaphore_mem>>) src(%dma_wait3A_324 : memref<1000000x16xf32, #tpu.memory_space<hbm>>) dst(%dma_wait3A_318 : memref<128x16xf32, #tpu.memory_space<vmem>>)
      %dma_wait3A_325 = arith.constant 0 : i32
      %dma_wait3A_326 = arith.constant 1408 : i32
      %dma_wait3A_327 = arith.constant 0 : i32
      %dma_wait3A_328 = tpu.memref_slice %arg6[%dma_wait3A_325, %dma_wait3A_326, %dma_wait3A_327] : memref<2x1664x16xf32, #tpu.memory_space<vmem>> -> memref<1x128x16xf32, #tpu.memory_space<vmem>>
      %dma_wait3A_329 = tpu.memref_squeeze %dma_wait3A_328 : memref<1x128x16xf32, #tpu.memory_space<vmem>> -> memref<128x16xf32, #tpu.memory_space<vmem>>
      %dma_wait3A_330 = arith.constant 0 : i32
      %dma_wait3A_331 = tpu.memref_slice %arg5[%add3A_178, %dma_wait3A_330] : memref<104x128xi32, #tpu.memory_space<vmem>> -> memref<1x128xi32, #tpu.memory_space<vmem>>
      %dma_wait3A_332 = tpu.memref_squeeze %dma_wait3A_331 : memref<1x128xi32, #tpu.memory_space<vmem>> -> memref<128xi32, #tpu.memory_space<vmem>>
      %dma_wait3A_333 = arith.constant 0 : i32
      %dma_wait3A_334 = arith.constant 0 : i32
      %dma_wait3A_335 = tpu.memref_slice %arg3[%dma_wait3A_333, %dma_wait3A_334] : memref<1000000x16xf32, #tpu.memory_space<hbm>> -> memref<1000000x16xf32, #tpu.memory_space<hbm>>
      tpu.wait_indirect_dma semaphore(%arg7 : memref<!tpu.dma_semaphore, #tpu.memory_space<semaphore_mem>>) src(%dma_wait3A_335 : memref<1000000x16xf32, #tpu.memory_space<hbm>>) dst(%dma_wait3A_329 : memref<128x16xf32, #tpu.memory_space<vmem>>)
      %dma_wait3A_336 = arith.constant 0 : i32
      %dma_wait3A_337 = arith.constant 1536 : i32
      %dma_wait3A_338 = arith.constant 0 : i32
      %dma_wait3A_339 = tpu.memref_slice %arg6[%dma_wait3A_336, %dma_wait3A_337, %dma_wait3A_338] : memref<2x1664x16xf32, #tpu.memory_space<vmem>> -> memref<1x128x16xf32, #tpu.memory_space<vmem>>
      %dma_wait3A_340 = tpu.memref_squeeze %dma_wait3A_339 : memref<1x128x16xf32, #tpu.memory_space<vmem>> -> memref<128x16xf32, #tpu.memory_space<vmem>>
      %dma_wait3A_341 = arith.constant 0 : i32
      %dma_wait3A_342 = tpu.memref_slice %arg5[%add3A_193, %dma_wait3A_341] : memref<104x128xi32, #tpu.memory_space<vmem>> -> memref<1x128xi32, #tpu.memory_space<vmem>>
      %dma_wait3A_343 = tpu.memref_squeeze %dma_wait3A_342 : memref<1x128xi32, #tpu.memory_space<vmem>> -> memref<128xi32, #tpu.memory_space<vmem>>
      %dma_wait3A_344 = arith.constant 0 : i32
      %dma_wait3A_345 = arith.constant 0 : i32
      %dma_wait3A_346 = tpu.memref_slice %arg3[%dma_wait3A_344, %dma_wait3A_345] : memref<1000000x16xf32, #tpu.memory_space<hbm>> -> memref<1000000x16xf32, #tpu.memory_space<hbm>>
      tpu.wait_indirect_dma semaphore(%arg7 : memref<!tpu.dma_semaphore, #tpu.memory_space<semaphore_mem>>) src(%dma_wait3A_346 : memref<1000000x16xf32, #tpu.memory_space<hbm>>) dst(%dma_wait3A_340 : memref<128x16xf32, #tpu.memory_space<vmem>>)
      %mul3A_347 = arith.constant 13312 : i32
      %mul3A_348 = arith.muli %add3A, %mul3A_347 : i32
      %mul3A_349 = arith.constant 1664 : i32
      %mul3A_350 = arith.muli %mul3A_10, %mul3A_349 : i32
      %add3A_351 = arith.addi %mul3A_348, %mul3A_350 : i32
      %dma_start3A_352 = arith.constant 0 : i32
      %dma_start3A_353 = arith.constant 0 : i32
      %dma_start3A_354 = arith.constant 0 : i32
      %dma_start3A_355 = tpu.memref_slice %arg6[%dma_start3A_352, %dma_start3A_353, %dma_start3A_354] : memref<2x1664x16xf32, #tpu.memory_space<vmem>> -> memref<1x1664x16xf32, #tpu.memory_space<vmem>>
      %dma_start3A_356 = tpu.memref_squeeze %dma_start3A_355 : memref<1x1664x16xf32, #tpu.memory_space<vmem>> -> memref<1664x16xf32, #tpu.memory_space<vmem>>
      %dma_start3A_357 = arith.constant 0 : i32
      %dma_start3A_358 = tpu.memref_slice %arg4[%add3A_351, %dma_start3A_357] : memref<425984x16xf32, #tpu.memory_space<hbm>> -> memref<1664x16xf32, #tpu.memory_space<hbm>>
      %dma_start3A_359 = arith.constant 0 : i32
      %dma_start3A_360 = tpu.memref_slice %arg4[%add3A_351, %dma_start3A_359] : memref<425984x16xf32, #tpu.memory_space<hbm>> -> memref<1664x16xf32, #tpu.memory_space<hbm>>
      %dma_start3A_361 = arith.constant 0 : i32
      %dma_start3A_362 = arith.constant 0 : i32
      %dma_start3A_363 = tpu.memref_slice %arg6[%dma_start3A_352, %dma_start3A_361, %dma_start3A_362] : memref<2x1664x16xf32, #tpu.memory_space<vmem>> -> memref<1x1664x16xf32, #tpu.memory_space<vmem>>
      %dma_start3A_364 = tpu.memref_squeeze %dma_start3A_363 : memref<1x1664x16xf32, #tpu.memory_space<vmem>> -> memref<1664x16xf32, #tpu.memory_space<vmem>>
      tpu.enqueue_dma source(%dma_start3A_364 : memref<1664x16xf32, #tpu.memory_space<vmem>>) target(%dma_start3A_360 : memref<1664x16xf32, #tpu.memory_space<hbm>>) target_semaphore(%arg8 : memref<!tpu.dma_semaphore, #tpu.memory_space<semaphore_mem>>)
      %add3A_365 = arith.constant 1 : i32
      %add3A_366 = arith.addi %mul3A_10, %add3A_365 : i32
      %mul3A_367 = arith.constant 13 : i32
      %mul3A_368 = arith.muli %add3A_366, %mul3A_367 : i32
      %add3A_369 = arith.constant 0 : i32
      %add3A_370 = arith.addi %mul3A_368, %add3A_369 : i32
      %dma_start3A_371 = arith.constant 1 : i32
      %dma_start3A_372 = arith.constant 0 : i32
      %dma_start3A_373 = arith.constant 0 : i32
      %dma_start3A_374 = tpu.memref_slice %arg6[%dma_start3A_371, %dma_start3A_372, %dma_start3A_373] : memref<2x1664x16xf32, #tpu.memory_space<vmem>> -> memref<1x128x16xf32, #tpu.memory_space<vmem>>
      %dma_start3A_375 = tpu.memref_squeeze %dma_start3A_374 : memref<1x128x16xf32, #tpu.memory_space<vmem>> -> memref<128x16xf32, #tpu.memory_space<vmem>>
      %dma_start3A_376 = arith.constant 0 : i32
      %dma_start3A_377 = tpu.memref_slice %arg5[%add3A_370, %dma_start3A_376] : memref<104x128xi32, #tpu.memory_space<vmem>> -> memref<1x128xi32, #tpu.memory_space<vmem>>
      %dma_start3A_378 = tpu.memref_squeeze %dma_start3A_377 : memref<1x128xi32, #tpu.memory_space<vmem>> -> memref<128xi32, #tpu.memory_space<vmem>>
      %dma_start3A_379 = arith.constant 0 : i32
      %dma_start3A_380 = arith.constant 0 : i32
      %dma_start3A_381 = tpu.memref_slice %arg3[%dma_start3A_379, %dma_start3A_380] : memref<1000000x16xf32, #tpu.memory_space<hbm>> -> memref<1000000x16xf32, #tpu.memory_space<hbm>>
      tpu.enqueue_indirect_dma source(%dma_start3A_381 : memref<1000000x16xf32, #tpu.memory_space<hbm>>) target(%dma_start3A_375 : memref<128x16xf32, #tpu.memory_space<vmem>>) offsets(%dma_start3A_378 : memref<128xi32, #tpu.memory_space<vmem>>) semaphore(%arg7 : memref<!tpu.dma_semaphore, #tpu.memory_space<semaphore_mem>>)
      %mul3A_382 = arith.constant 13 : i32
      %mul3A_383 = arith.muli %add3A_366, %mul3A_382 : i32
      %add3A_384 = arith.constant 1 : i32
      %add3A_385 = arith.addi %mul3A_383, %add3A_384 : i32
      %dma_start3A_386 = arith.constant 1 : i32
      %dma_start3A_387 = arith.constant 128 : i32
      %dma_start3A_388 = arith.constant 0 : i32
      %dma_start3A_389 = tpu.memref_slice %arg6[%dma_start3A_386, %dma_start3A_387, %dma_start3A_388] : memref<2x1664x16xf32, #tpu.memory_space<vmem>> -> memref<1x128x16xf32, #tpu.memory_space<vmem>>
      %dma_start3A_390 = tpu.memref_squeeze %dma_start3A_389 : memref<1x128x16xf32, #tpu.memory_space<vmem>> -> memref<128x16xf32, #tpu.memory_space<vmem>>
      %dma_start3A_391 = arith.constant 0 : i32
      %dma_start3A_392 = tpu.memref_slice %arg5[%add3A_385, %dma_start3A_391] : memref<104x128xi32, #tpu.memory_space<vmem>> -> memref<1x128xi32, #tpu.memory_space<vmem>>
      %dma_start3A_393 = tpu.memref_squeeze %dma_start3A_392 : memref<1x128xi32, #tpu.memory_space<vmem>> -> memref<128xi32, #tpu.memory_space<vmem>>
      %dma_start3A_394 = arith.constant 0 : i32
      %dma_start3A_395 = arith.constant 0 : i32
      %dma_start3A_396 = tpu.memref_slice %arg3[%dma_start3A_394, %dma_start3A_395] : memref<1000000x16xf32, #tpu.memory_space<hbm>> -> memref<1000000x16xf32, #tpu.memory_space<hbm>>
      tpu.enqueue_indirect_dma source(%dma_start3A_396 : memref<1000000x16xf32, #tpu.memory_space<hbm>>) target(%dma_start3A_390 : memref<128x16xf32, #tpu.memory_space<vmem>>) offsets(%dma_start3A_393 : memref<128xi32, #tpu.memory_space<vmem>>) semaphore(%arg7 : memref<!tpu.dma_semaphore, #tpu.memory_space<semaphore_mem>>)
      %mul3A_397 = arith.constant 13 : i32
      %mul3A_398 = arith.muli %add3A_366, %mul3A_397 : i32
      %add3A_399 = arith.constant 2 : i32
      %add3A_400 = arith.addi %mul3A_398, %add3A_399 : i32
      %dma_start3A_401 = arith.constant 1 : i32
      %dma_start3A_402 = arith.constant 256 : i32
      %dma_start3A_403 = arith.constant 0 : i32
      %dma_start3A_404 = tpu.memref_slice %arg6[%dma_start3A_401, %dma_start3A_402, %dma_start3A_403] : memref<2x1664x16xf32, #tpu.memory_space<vmem>> -> memref<1x128x16xf32, #tpu.memory_space<vmem>>
      %dma_start3A_405 = tpu.memref_squeeze %dma_start3A_404 : memref<1x128x16xf32, #tpu.memory_space<vmem>> -> memref<128x16xf32, #tpu.memory_space<vmem>>
      %dma_start3A_406 = arith.constant 0 : i32
      %dma_start3A_407 = tpu.memref_slice %arg5[%add3A_400, %dma_start3A_406] : memref<104x128xi32, #tpu.memory_space<vmem>> -> memref<1x128xi32, #tpu.memory_space<vmem>>
      %dma_start3A_408 = tpu.memref_squeeze %dma_start3A_407 : memref<1x128xi32, #tpu.memory_space<vmem>> -> memref<128xi32, #tpu.memory_space<vmem>>
      %dma_start3A_409 = arith.constant 0 : i32
      %dma_start3A_410 = arith.constant 0 : i32
      %dma_start3A_411 = tpu.memref_slice %arg3[%dma_start3A_409, %dma_start3A_410] : memref<1000000x16xf32, #tpu.memory_space<hbm>> -> memref<1000000x16xf32, #tpu.memory_space<hbm>>
      tpu.enqueue_indirect_dma source(%dma_start3A_411 : memref<1000000x16xf32, #tpu.memory_space<hbm>>) target(%dma_start3A_405 : memref<128x16xf32, #tpu.memory_space<vmem>>) offsets(%dma_start3A_408 : memref<128xi32, #tpu.memory_space<vmem>>) semaphore(%arg7 : memref<!tpu.dma_semaphore, #tpu.memory_space<semaphore_mem>>)
      %mul3A_412 = arith.constant 13 : i32
      %mul3A_413 = arith.muli %add3A_366, %mul3A_412 : i32
      %add3A_414 = arith.constant 3 : i32
      %add3A_415 = arith.addi %mul3A_413, %add3A_414 : i32
      %dma_start3A_416 = arith.constant 1 : i32
      %dma_start3A_417 = arith.constant 384 : i32
      %dma_start3A_418 = arith.constant 0 : i32
      %dma_start3A_419 = tpu.memref_slice %arg6[%dma_start3A_416, %dma_start3A_417, %dma_start3A_418] : memref<2x1664x16xf32, #tpu.memory_space<vmem>> -> memref<1x128x16xf32, #tpu.memory_space<vmem>>
      %dma_start3A_420 = tpu.memref_squeeze %dma_start3A_419 : memref<1x128x16xf32, #tpu.memory_space<vmem>> -> memref<128x16xf32, #tpu.memory_space<vmem>>
      %dma_start3A_421 = arith.constant 0 : i32
      %dma_start3A_422 = tpu.memref_slice %arg5[%add3A_415, %dma_start3A_421] : memref<104x128xi32, #tpu.memory_space<vmem>> -> memref<1x128xi32, #tpu.memory_space<vmem>>
      %dma_start3A_423 = tpu.memref_squeeze %dma_start3A_422 : memref<1x128xi32, #tpu.memory_space<vmem>> -> memref<128xi32, #tpu.memory_space<vmem>>
      %dma_start3A_424 = arith.constant 0 : i32
      %dma_start3A_425 = arith.constant 0 : i32
      %dma_start3A_426 = tpu.memref_slice %arg3[%dma_start3A_424, %dma_start3A_425] : memref<1000000x16xf32, #tpu.memory_space<hbm>> -> memref<1000000x16xf32, #tpu.memory_space<hbm>>
      tpu.enqueue_indirect_dma source(%dma_start3A_426 : memref<1000000x16xf32, #tpu.memory_space<hbm>>) target(%dma_start3A_420 : memref<128x16xf32, #tpu.memory_space<vmem>>) offsets(%dma_start3A_423 : memref<128xi32, #tpu.memory_space<vmem>>) semaphore(%arg7 : memref<!tpu.dma_semaphore, #tpu.memory_space<semaphore_mem>>)
      %mul3A_427 = arith.constant 13 : i32
      %mul3A_428 = arith.muli %add3A_366, %mul3A_427 : i32
      %add3A_429 = arith.constant 4 : i32
      %add3A_430 = arith.addi %mul3A_428, %add3A_429 : i32
      %dma_start3A_431 = arith.constant 1 : i32
      %dma_start3A_432 = arith.constant 512 : i32
      %dma_start3A_433 = arith.constant 0 : i32
      %dma_start3A_434 = tpu.memref_slice %arg6[%dma_start3A_431, %dma_start3A_432, %dma_start3A_433] : memref<2x1664x16xf32, #tpu.memory_space<vmem>> -> memref<1x128x16xf32, #tpu.memory_space<vmem>>
      %dma_start3A_435 = tpu.memref_squeeze %dma_start3A_434 : memref<1x128x16xf32, #tpu.memory_space<vmem>> -> memref<128x16xf32, #tpu.memory_space<vmem>>
      %dma_start3A_436 = arith.constant 0 : i32
      %dma_start3A_437 = tpu.memref_slice %arg5[%add3A_430, %dma_start3A_436] : memref<104x128xi32, #tpu.memory_space<vmem>> -> memref<1x128xi32, #tpu.memory_space<vmem>>
      %dma_start3A_438 = tpu.memref_squeeze %dma_start3A_437 : memref<1x128xi32, #tpu.memory_space<vmem>> -> memref<128xi32, #tpu.memory_space<vmem>>
      %dma_start3A_439 = arith.constant 0 : i32
      %dma_start3A_440 = arith.constant 0 : i32
      %dma_start3A_441 = tpu.memref_slice %arg3[%dma_start3A_439, %dma_start3A_440] : memref<1000000x16xf32, #tpu.memory_space<hbm>> -> memref<1000000x16xf32, #tpu.memory_space<hbm>>
      tpu.enqueue_indirect_dma source(%dma_start3A_441 : memref<1000000x16xf32, #tpu.memory_space<hbm>>) target(%dma_start3A_435 : memref<128x16xf32, #tpu.memory_space<vmem>>) offsets(%dma_start3A_438 : memref<128xi32, #tpu.memory_space<vmem>>) semaphore(%arg7 : memref<!tpu.dma_semaphore, #tpu.memory_space<semaphore_mem>>)
      %mul3A_442 = arith.constant 13 : i32
      %mul3A_443 = arith.muli %add3A_366, %mul3A_442 : i32
      %add3A_444 = arith.constant 5 : i32
      %add3A_445 = arith.addi %mul3A_443, %add3A_444 : i32
      %dma_start3A_446 = arith.constant 1 : i32
      %dma_start3A_447 = arith.constant 640 : i32
      %dma_start3A_448 = arith.constant 0 : i32
      %dma_start3A_449 = tpu.memref_slice %arg6[%dma_start3A_446, %dma_start3A_447, %dma_start3A_448] : memref<2x1664x16xf32, #tpu.memory_space<vmem>> -> memref<1x128x16xf32, #tpu.memory_space<vmem>>
      %dma_start3A_450 = tpu.memref_squeeze %dma_start3A_449 : memref<1x128x16xf32, #tpu.memory_space<vmem>> -> memref<128x16xf32, #tpu.memory_space<vmem>>
      %dma_start3A_451 = arith.constant 0 : i32
      %dma_start3A_452 = tpu.memref_slice %arg5[%add3A_445, %dma_start3A_451] : memref<104x128xi32, #tpu.memory_space<vmem>> -> memref<1x128xi32, #tpu.memory_space<vmem>>
      %dma_start3A_453 = tpu.memref_squeeze %dma_start3A_452 : memref<1x128xi32, #tpu.memory_space<vmem>> -> memref<128xi32, #tpu.memory_space<vmem>>
      %dma_start3A_454 = arith.constant 0 : i32
      %dma_start3A_455 = arith.constant 0 : i32
      %dma_start3A_456 = tpu.memref_slice %arg3[%dma_start3A_454, %dma_start3A_455] : memref<1000000x16xf32, #tpu.memory_space<hbm>> -> memref<1000000x16xf32, #tpu.memory_space<hbm>>
      tpu.enqueue_indirect_dma source(%dma_start3A_456 : memref<1000000x16xf32, #tpu.memory_space<hbm>>) target(%dma_start3A_450 : memref<128x16xf32, #tpu.memory_space<vmem>>) offsets(%dma_start3A_453 : memref<128xi32, #tpu.memory_space<vmem>>) semaphore(%arg7 : memref<!tpu.dma_semaphore, #tpu.memory_space<semaphore_mem>>)
      %mul3A_457 = arith.constant 13 : i32
      %mul3A_458 = arith.muli %add3A_366, %mul3A_457 : i32
      %add3A_459 = arith.constant 6 : i32
      %add3A_460 = arith.addi %mul3A_458, %add3A_459 : i32
      %dma_start3A_461 = arith.constant 1 : i32
      %dma_start3A_462 = arith.constant 768 : i32
      %dma_start3A_463 = arith.constant 0 : i32
      %dma_start3A_464 = tpu.memref_slice %arg6[%dma_start3A_461, %dma_start3A_462, %dma_start3A_463] : memref<2x1664x16xf32, #tpu.memory_space<vmem>> -> memref<1x128x16xf32, #tpu.memory_space<vmem>>
      %dma_start3A_465 = tpu.memref_squeeze %dma_start3A_464 : memref<1x128x16xf32, #tpu.memory_space<vmem>> -> memref<128x16xf32, #tpu.memory_space<vmem>>
      %dma_start3A_466 = arith.constant 0 : i32
      %dma_start3A_467 = tpu.memref_slice %arg5[%add3A_460, %dma_start3A_466] : memref<104x128xi32, #tpu.memory_space<vmem>> -> memref<1x128xi32, #tpu.memory_space<vmem>>
      %dma_start3A_468 = tpu.memref_squeeze %dma_start3A_467 : memref<1x128xi32, #tpu.memory_space<vmem>> -> memref<128xi32, #tpu.memory_space<vmem>>
      %dma_start3A_469 = arith.constant 0 : i32
      %dma_start3A_470 = arith.constant 0 : i32
      %dma_start3A_471 = tpu.memref_slice %arg3[%dma_start3A_469, %dma_start3A_470] : memref<1000000x16xf32, #tpu.memory_space<hbm>> -> memref<1000000x16xf32, #tpu.memory_space<hbm>>
      tpu.enqueue_indirect_dma source(%dma_start3A_471 : memref<1000000x16xf32, #tpu.memory_space<hbm>>) target(%dma_start3A_465 : memref<128x16xf32, #tpu.memory_space<vmem>>) offsets(%dma_start3A_468 : memref<128xi32, #tpu.memory_space<vmem>>) semaphore(%arg7 : memref<!tpu.dma_semaphore, #tpu.memory_space<semaphore_mem>>)
      %mul3A_472 = arith.constant 13 : i32
      %mul3A_473 = arith.muli %add3A_366, %mul3A_472 : i32
      %add3A_474 = arith.constant 7 : i32
      %add3A_475 = arith.addi %mul3A_473, %add3A_474 : i32
      %dma_start3A_476 = arith.constant 1 : i32
      %dma_start3A_477 = arith.constant 896 : i32
      %dma_start3A_478 = arith.constant 0 : i32
      %dma_start3A_479 = tpu.memref_slice %arg6[%dma_start3A_476, %dma_start3A_477, %dma_start3A_478] : memref<2x1664x16xf32, #tpu.memory_space<vmem>> -> memref<1x128x16xf32, #tpu.memory_space<vmem>>
      %dma_start3A_480 = tpu.memref_squeeze %dma_start3A_479 : memref<1x128x16xf32, #tpu.memory_space<vmem>> -> memref<128x16xf32, #tpu.memory_space<vmem>>
      %dma_start3A_481 = arith.constant 0 : i32
      %dma_start3A_482 = tpu.memref_slice %arg5[%add3A_475, %dma_start3A_481] : memref<104x128xi32, #tpu.memory_space<vmem>> -> memref<1x128xi32, #tpu.memory_space<vmem>>
      %dma_start3A_483 = tpu.memref_squeeze %dma_start3A_482 : memref<1x128xi32, #tpu.memory_space<vmem>> -> memref<128xi32, #tpu.memory_space<vmem>>
      %dma_start3A_484 = arith.constant 0 : i32
      %dma_start3A_485 = arith.constant 0 : i32
      %dma_start3A_486 = tpu.memref_slice %arg3[%dma_start3A_484, %dma_start3A_485] : memref<1000000x16xf32, #tpu.memory_space<hbm>> -> memref<1000000x16xf32, #tpu.memory_space<hbm>>
      tpu.enqueue_indirect_dma source(%dma_start3A_486 : memref<1000000x16xf32, #tpu.memory_space<hbm>>) target(%dma_start3A_480 : memref<128x16xf32, #tpu.memory_space<vmem>>) offsets(%dma_start3A_483 : memref<128xi32, #tpu.memory_space<vmem>>) semaphore(%arg7 : memref<!tpu.dma_semaphore, #tpu.memory_space<semaphore_mem>>)
      %mul3A_487 = arith.constant 13 : i32
      %mul3A_488 = arith.muli %add3A_366, %mul3A_487 : i32
      %add3A_489 = arith.constant 8 : i32
      %add3A_490 = arith.addi %mul3A_488, %add3A_489 : i32
      %dma_start3A_491 = arith.constant 1 : i32
      %dma_start3A_492 = arith.constant 1024 : i32
      %dma_start3A_493 = arith.constant 0 : i32
      %dma_start3A_494 = tpu.memref_slice %arg6[%dma_start3A_491, %dma_start3A_492, %dma_start3A_493] : memref<2x1664x16xf32, #tpu.memory_space<vmem>> -> memref<1x128x16xf32, #tpu.memory_space<vmem>>
      %dma_start3A_495 = tpu.memref_squeeze %dma_start3A_494 : memref<1x128x16xf32, #tpu.memory_space<vmem>> -> memref<128x16xf32, #tpu.memory_space<vmem>>
      %dma_start3A_496 = arith.constant 0 : i32
      %dma_start3A_497 = tpu.memref_slice %arg5[%add3A_490, %dma_start3A_496] : memref<104x128xi32, #tpu.memory_space<vmem>> -> memref<1x128xi32, #tpu.memory_space<vmem>>
      %dma_start3A_498 = tpu.memref_squeeze %dma_start3A_497 : memref<1x128xi32, #tpu.memory_space<vmem>> -> memref<128xi32, #tpu.memory_space<vmem>>
      %dma_start3A_499 = arith.constant 0 : i32
      %dma_start3A_500 = arith.constant 0 : i32
      %dma_start3A_501 = tpu.memref_slice %arg3[%dma_start3A_499, %dma_start3A_500] : memref<1000000x16xf32, #tpu.memory_space<hbm>> -> memref<1000000x16xf32, #tpu.memory_space<hbm>>
      tpu.enqueue_indirect_dma source(%dma_start3A_501 : memref<1000000x16xf32, #tpu.memory_space<hbm>>) target(%dma_start3A_495 : memref<128x16xf32, #tpu.memory_space<vmem>>) offsets(%dma_start3A_498 : memref<128xi32, #tpu.memory_space<vmem>>) semaphore(%arg7 : memref<!tpu.dma_semaphore, #tpu.memory_space<semaphore_mem>>)
      %mul3A_502 = arith.constant 13 : i32
      %mul3A_503 = arith.muli %add3A_366, %mul3A_502 : i32
      %add3A_504 = arith.constant 9 : i32
      %add3A_505 = arith.addi %mul3A_503, %add3A_504 : i32
      %dma_start3A_506 = arith.constant 1 : i32
      %dma_start3A_507 = arith.constant 1152 : i32
      %dma_start3A_508 = arith.constant 0 : i32
      %dma_start3A_509 = tpu.memref_slice %arg6[%dma_start3A_506, %dma_start3A_507, %dma_start3A_508] : memref<2x1664x16xf32, #tpu.memory_space<vmem>> -> memref<1x128x16xf32, #tpu.memory_space<vmem>>
      %dma_start3A_510 = tpu.memref_squeeze %dma_start3A_509 : memref<1x128x16xf32, #tpu.memory_space<vmem>> -> memref<128x16xf32, #tpu.memory_space<vmem>>
      %dma_start3A_511 = arith.constant 0 : i32
      %dma_start3A_512 = tpu.memref_slice %arg5[%add3A_505, %dma_start3A_511] : memref<104x128xi32, #tpu.memory_space<vmem>> -> memref<1x128xi32, #tpu.memory_space<vmem>>
      %dma_start3A_513 = tpu.memref_squeeze %dma_start3A_512 : memref<1x128xi32, #tpu.memory_space<vmem>> -> memref<128xi32, #tpu.memory_space<vmem>>
      %dma_start3A_514 = arith.constant 0 : i32
      %dma_start3A_515 = arith.constant 0 : i32
      %dma_start3A_516 = tpu.memref_slice %arg3[%dma_start3A_514, %dma_start3A_515] : memref<1000000x16xf32, #tpu.memory_space<hbm>> -> memref<1000000x16xf32, #tpu.memory_space<hbm>>
      tpu.enqueue_indirect_dma source(%dma_start3A_516 : memref<1000000x16xf32, #tpu.memory_space<hbm>>) target(%dma_start3A_510 : memref<128x16xf32, #tpu.memory_space<vmem>>) offsets(%dma_start3A_513 : memref<128xi32, #tpu.memory_space<vmem>>) semaphore(%arg7 : memref<!tpu.dma_semaphore, #tpu.memory_space<semaphore_mem>>)
      %mul3A_517 = arith.constant 13 : i32
      %mul3A_518 = arith.muli %add3A_366, %mul3A_517 : i32
      %add3A_519 = arith.constant 10 : i32
      %add3A_520 = arith.addi %mul3A_518, %add3A_519 : i32
      %dma_start3A_521 = arith.constant 1 : i32
      %dma_start3A_522 = arith.constant 1280 : i32
      %dma_start3A_523 = arith.constant 0 : i32
      %dma_start3A_524 = tpu.memref_slice %arg6[%dma_start3A_521, %dma_start3A_522, %dma_start3A_523] : memref<2x1664x16xf32, #tpu.memory_space<vmem>> -> memref<1x128x16xf32, #tpu.memory_space<vmem>>
      %dma_start3A_525 = tpu.memref_squeeze %dma_start3A_524 : memref<1x128x16xf32, #tpu.memory_space<vmem>> -> memref<128x16xf32, #tpu.memory_space<vmem>>
      %dma_start3A_526 = arith.constant 0 : i32
      %dma_start3A_527 = tpu.memref_slice %arg5[%add3A_520, %dma_start3A_526] : memref<104x128xi32, #tpu.memory_space<vmem>> -> memref<1x128xi32, #tpu.memory_space<vmem>>
      %dma_start3A_528 = tpu.memref_squeeze %dma_start3A_527 : memref<1x128xi32, #tpu.memory_space<vmem>> -> memref<128xi32, #tpu.memory_space<vmem>>
      %dma_start3A_529 = arith.constant 0 : i32
      %dma_start3A_530 = arith.constant 0 : i32
      %dma_start3A_531 = tpu.memref_slice %arg3[%dma_start3A_529, %dma_start3A_530] : memref<1000000x16xf32, #tpu.memory_space<hbm>> -> memref<1000000x16xf32, #tpu.memory_space<hbm>>
      tpu.enqueue_indirect_dma source(%dma_start3A_531 : memref<1000000x16xf32, #tpu.memory_space<hbm>>) target(%dma_start3A_525 : memref<128x16xf32, #tpu.memory_space<vmem>>) offsets(%dma_start3A_528 : memref<128xi32, #tpu.memory_space<vmem>>) semaphore(%arg7 : memref<!tpu.dma_semaphore, #tpu.memory_space<semaphore_mem>>)
      %mul3A_532 = arith.constant 13 : i32
      %mul3A_533 = arith.muli %add3A_366, %mul3A_532 : i32
      %add3A_534 = arith.constant 11 : i32
      %add3A_535 = arith.addi %mul3A_533, %add3A_534 : i32
      %dma_start3A_536 = arith.constant 1 : i32
      %dma_start3A_537 = arith.constant 1408 : i32
      %dma_start3A_538 = arith.constant 0 : i32
      %dma_start3A_539 = tpu.memref_slice %arg6[%dma_start3A_536, %dma_start3A_537, %dma_start3A_538] : memref<2x1664x16xf32, #tpu.memory_space<vmem>> -> memref<1x128x16xf32, #tpu.memory_space<vmem>>
      %dma_start3A_540 = tpu.memref_squeeze %dma_start3A_539 : memref<1x128x16xf32, #tpu.memory_space<vmem>> -> memref<128x16xf32, #tpu.memory_space<vmem>>
      %dma_start3A_541 = arith.constant 0 : i32
      %dma_start3A_542 = tpu.memref_slice %arg5[%add3A_535, %dma_start3A_541] : memref<104x128xi32, #tpu.memory_space<vmem>> -> memref<1x128xi32, #tpu.memory_space<vmem>>
      %dma_start3A_543 = tpu.memref_squeeze %dma_start3A_542 : memref<1x128xi32, #tpu.memory_space<vmem>> -> memref<128xi32, #tpu.memory_space<vmem>>
      %dma_start3A_544 = arith.constant 0 : i32
      %dma_start3A_545 = arith.constant 0 : i32
      %dma_start3A_546 = tpu.memref_slice %arg3[%dma_start3A_544, %dma_start3A_545] : memref<1000000x16xf32, #tpu.memory_space<hbm>> -> memref<1000000x16xf32, #tpu.memory_space<hbm>>
      tpu.enqueue_indirect_dma source(%dma_start3A_546 : memref<1000000x16xf32, #tpu.memory_space<hbm>>) target(%dma_start3A_540 : memref<128x16xf32, #tpu.memory_space<vmem>>) offsets(%dma_start3A_543 : memref<128xi32, #tpu.memory_space<vmem>>) semaphore(%arg7 : memref<!tpu.dma_semaphore, #tpu.memory_space<semaphore_mem>>)
      %mul3A_547 = arith.constant 13 : i32
      %mul3A_548 = arith.muli %add3A_366, %mul3A_547 : i32
      %add3A_549 = arith.constant 12 : i32
      %add3A_550 = arith.addi %mul3A_548, %add3A_549 : i32
      %dma_start3A_551 = arith.constant 1 : i32
      %dma_start3A_552 = arith.constant 1536 : i32
      %dma_start3A_553 = arith.constant 0 : i32
      %dma_start3A_554 = tpu.memref_slice %arg6[%dma_start3A_551, %dma_start3A_552, %dma_start3A_553] : memref<2x1664x16xf32, #tpu.memory_space<vmem>> -> memref<1x128x16xf32, #tpu.memory_space<vmem>>
      %dma_start3A_555 = tpu.memref_squeeze %dma_start3A_554 : memref<1x128x16xf32, #tpu.memory_space<vmem>> -> memref<128x16xf32, #tpu.memory_space<vmem>>
      %dma_start3A_556 = arith.constant 0 : i32
      %dma_start3A_557 = tpu.memref_slice %arg5[%add3A_550, %dma_start3A_556] : memref<104x128xi32, #tpu.memory_space<vmem>> -> memref<1x128xi32, #tpu.memory_space<vmem>>
      %dma_start3A_558 = tpu.memref_squeeze %dma_start3A_557 : memref<1x128xi32, #tpu.memory_space<vmem>> -> memref<128xi32, #tpu.memory_space<vmem>>
      %dma_start3A_559 = arith.constant 0 : i32
      %dma_start3A_560 = arith.constant 0 : i32
      %dma_start3A_561 = tpu.memref_slice %arg3[%dma_start3A_559, %dma_start3A_560] : memref<1000000x16xf32, #tpu.memory_space<hbm>> -> memref<1000000x16xf32, #tpu.memory_space<hbm>>
      tpu.enqueue_indirect_dma source(%dma_start3A_561 : memref<1000000x16xf32, #tpu.memory_space<hbm>>) target(%dma_start3A_555 : memref<128x16xf32, #tpu.memory_space<vmem>>) offsets(%dma_start3A_558 : memref<128xi32, #tpu.memory_space<vmem>>) semaphore(%arg7 : memref<!tpu.dma_semaphore, #tpu.memory_space<semaphore_mem>>)
      %dma_wait3A_562 = arith.constant 1 : i32
      %dma_wait3A_563 = arith.constant 0 : i32
      %dma_wait3A_564 = arith.constant 0 : i32
      %dma_wait3A_565 = tpu.memref_slice %arg6[%dma_wait3A_562, %dma_wait3A_563, %dma_wait3A_564] : memref<2x1664x16xf32, #tpu.memory_space<vmem>> -> memref<1x128x16xf32, #tpu.memory_space<vmem>>
      %dma_wait3A_566 = tpu.memref_squeeze %dma_wait3A_565 : memref<1x128x16xf32, #tpu.memory_space<vmem>> -> memref<128x16xf32, #tpu.memory_space<vmem>>
      %dma_wait3A_567 = arith.constant 0 : i32
      %dma_wait3A_568 = tpu.memref_slice %arg5[%add3A_370, %dma_wait3A_567] : memref<104x128xi32, #tpu.memory_space<vmem>> -> memref<1x128xi32, #tpu.memory_space<vmem>>
      %dma_wait3A_569 = tpu.memref_squeeze %dma_wait3A_568 : memref<1x128xi32, #tpu.memory_space<vmem>> -> memref<128xi32, #tpu.memory_space<vmem>>
      %dma_wait3A_570 = arith.constant 0 : i32
      %dma_wait3A_571 = arith.constant 0 : i32
      %dma_wait3A_572 = tpu.memref_slice %arg3[%dma_wait3A_570, %dma_wait3A_571] : memref<1000000x16xf32, #tpu.memory_space<hbm>> -> memref<1000000x16xf32, #tpu.memory_space<hbm>>
      tpu.wait_indirect_dma semaphore(%arg7 : memref<!tpu.dma_semaphore, #tpu.memory_space<semaphore_mem>>) src(%dma_wait3A_572 : memref<1000000x16xf32, #tpu.memory_space<hbm>>) dst(%dma_wait3A_566 : memref<128x16xf32, #tpu.memory_space<vmem>>)
      %dma_wait3A_573 = arith.constant 1 : i32
      %dma_wait3A_574 = arith.constant 128 : i32
      %dma_wait3A_575 = arith.constant 0 : i32
      %dma_wait3A_576 = tpu.memref_slice %arg6[%dma_wait3A_573, %dma_wait3A_574, %dma_wait3A_575] : memref<2x1664x16xf32, #tpu.memory_space<vmem>> -> memref<1x128x16xf32, #tpu.memory_space<vmem>>
      %dma_wait3A_577 = tpu.memref_squeeze %dma_wait3A_576 : memref<1x128x16xf32, #tpu.memory_space<vmem>> -> memref<128x16xf32, #tpu.memory_space<vmem>>
      %dma_wait3A_578 = arith.constant 0 : i32
      %dma_wait3A_579 = tpu.memref_slice %arg5[%add3A_385, %dma_wait3A_578] : memref<104x128xi32, #tpu.memory_space<vmem>> -> memref<1x128xi32, #tpu.memory_space<vmem>>
      %dma_wait3A_580 = tpu.memref_squeeze %dma_wait3A_579 : memref<1x128xi32, #tpu.memory_space<vmem>> -> memref<128xi32, #tpu.memory_space<vmem>>
      %dma_wait3A_581 = arith.constant 0 : i32
      %dma_wait3A_582 = arith.constant 0 : i32
      %dma_wait3A_583 = tpu.memref_slice %arg3[%dma_wait3A_581, %dma_wait3A_582] : memref<1000000x16xf32, #tpu.memory_space<hbm>> -> memref<1000000x16xf32, #tpu.memory_space<hbm>>
      tpu.wait_indirect_dma semaphore(%arg7 : memref<!tpu.dma_semaphore, #tpu.memory_space<semaphore_mem>>) src(%dma_wait3A_583 : memref<1000000x16xf32, #tpu.memory_space<hbm>>) dst(%dma_wait3A_577 : memref<128x16xf32, #tpu.memory_space<vmem>>)
      %dma_wait3A_584 = arith.constant 1 : i32
      %dma_wait3A_585 = arith.constant 256 : i32
      %dma_wait3A_586 = arith.constant 0 : i32
      %dma_wait3A_587 = tpu.memref_slice %arg6[%dma_wait3A_584, %dma_wait3A_585, %dma_wait3A_586] : memref<2x1664x16xf32, #tpu.memory_space<vmem>> -> memref<1x128x16xf32, #tpu.memory_space<vmem>>
      %dma_wait3A_588 = tpu.memref_squeeze %dma_wait3A_587 : memref<1x128x16xf32, #tpu.memory_space<vmem>> -> memref<128x16xf32, #tpu.memory_space<vmem>>
      %dma_wait3A_589 = arith.constant 0 : i32
      %dma_wait3A_590 = tpu.memref_slice %arg5[%add3A_400, %dma_wait3A_589] : memref<104x128xi32, #tpu.memory_space<vmem>> -> memref<1x128xi32, #tpu.memory_space<vmem>>
      %dma_wait3A_591 = tpu.memref_squeeze %dma_wait3A_590 : memref<1x128xi32, #tpu.memory_space<vmem>> -> memref<128xi32, #tpu.memory_space<vmem>>
      %dma_wait3A_592 = arith.constant 0 : i32
      %dma_wait3A_593 = arith.constant 0 : i32
      %dma_wait3A_594 = tpu.memref_slice %arg3[%dma_wait3A_592, %dma_wait3A_593] : memref<1000000x16xf32, #tpu.memory_space<hbm>> -> memref<1000000x16xf32, #tpu.memory_space<hbm>>
      tpu.wait_indirect_dma semaphore(%arg7 : memref<!tpu.dma_semaphore, #tpu.memory_space<semaphore_mem>>) src(%dma_wait3A_594 : memref<1000000x16xf32, #tpu.memory_space<hbm>>) dst(%dma_wait3A_588 : memref<128x16xf32, #tpu.memory_space<vmem>>)
      %dma_wait3A_595 = arith.constant 1 : i32
      %dma_wait3A_596 = arith.constant 384 : i32
      %dma_wait3A_597 = arith.constant 0 : i32
      %dma_wait3A_598 = tpu.memref_slice %arg6[%dma_wait3A_595, %dma_wait3A_596, %dma_wait3A_597] : memref<2x1664x16xf32, #tpu.memory_space<vmem>> -> memref<1x128x16xf32, #tpu.memory_space<vmem>>
      %dma_wait3A_599 = tpu.memref_squeeze %dma_wait3A_598 : memref<1x128x16xf32, #tpu.memory_space<vmem>> -> memref<128x16xf32, #tpu.memory_space<vmem>>
      %dma_wait3A_600 = arith.constant 0 : i32
      %dma_wait3A_601 = tpu.memref_slice %arg5[%add3A_415, %dma_wait3A_600] : memref<104x128xi32, #tpu.memory_space<vmem>> -> memref<1x128xi32, #tpu.memory_space<vmem>>
      %dma_wait3A_602 = tpu.memref_squeeze %dma_wait3A_601 : memref<1x128xi32, #tpu.memory_space<vmem>> -> memref<128xi32, #tpu.memory_space<vmem>>
      %dma_wait3A_603 = arith.constant 0 : i32
      %dma_wait3A_604 = arith.constant 0 : i32
      %dma_wait3A_605 = tpu.memref_slice %arg3[%dma_wait3A_603, %dma_wait3A_604] : memref<1000000x16xf32, #tpu.memory_space<hbm>> -> memref<1000000x16xf32, #tpu.memory_space<hbm>>
      tpu.wait_indirect_dma semaphore(%arg7 : memref<!tpu.dma_semaphore, #tpu.memory_space<semaphore_mem>>) src(%dma_wait3A_605 : memref<1000000x16xf32, #tpu.memory_space<hbm>>) dst(%dma_wait3A_599 : memref<128x16xf32, #tpu.memory_space<vmem>>)
      %dma_wait3A_606 = arith.constant 1 : i32
      %dma_wait3A_607 = arith.constant 512 : i32
      %dma_wait3A_608 = arith.constant 0 : i32
      %dma_wait3A_609 = tpu.memref_slice %arg6[%dma_wait3A_606, %dma_wait3A_607, %dma_wait3A_608] : memref<2x1664x16xf32, #tpu.memory_space<vmem>> -> memref<1x128x16xf32, #tpu.memory_space<vmem>>
      %dma_wait3A_610 = tpu.memref_squeeze %dma_wait3A_609 : memref<1x128x16xf32, #tpu.memory_space<vmem>> -> memref<128x16xf32, #tpu.memory_space<vmem>>
      %dma_wait3A_611 = arith.constant 0 : i32
      %dma_wait3A_612 = tpu.memref_slice %arg5[%add3A_430, %dma_wait3A_611] : memref<104x128xi32, #tpu.memory_space<vmem>> -> memref<1x128xi32, #tpu.memory_space<vmem>>
      %dma_wait3A_613 = tpu.memref_squeeze %dma_wait3A_612 : memref<1x128xi32, #tpu.memory_space<vmem>> -> memref<128xi32, #tpu.memory_space<vmem>>
      %dma_wait3A_614 = arith.constant 0 : i32
      %dma_wait3A_615 = arith.constant 0 : i32
      %dma_wait3A_616 = tpu.memref_slice %arg3[%dma_wait3A_614, %dma_wait3A_615] : memref<1000000x16xf32, #tpu.memory_space<hbm>> -> memref<1000000x16xf32, #tpu.memory_space<hbm>>
      tpu.wait_indirect_dma semaphore(%arg7 : memref<!tpu.dma_semaphore, #tpu.memory_space<semaphore_mem>>) src(%dma_wait3A_616 : memref<1000000x16xf32, #tpu.memory_space<hbm>>) dst(%dma_wait3A_610 : memref<128x16xf32, #tpu.memory_space<vmem>>)
      %dma_wait3A_617 = arith.constant 1 : i32
      %dma_wait3A_618 = arith.constant 640 : i32
      %dma_wait3A_619 = arith.constant 0 : i32
      %dma_wait3A_620 = tpu.memref_slice %arg6[%dma_wait3A_617, %dma_wait3A_618, %dma_wait3A_619] : memref<2x1664x16xf32, #tpu.memory_space<vmem>> -> memref<1x128x16xf32, #tpu.memory_space<vmem>>
      %dma_wait3A_621 = tpu.memref_squeeze %dma_wait3A_620 : memref<1x128x16xf32, #tpu.memory_space<vmem>> -> memref<128x16xf32, #tpu.memory_space<vmem>>
      %dma_wait3A_622 = arith.constant 0 : i32
      %dma_wait3A_623 = tpu.memref_slice %arg5[%add3A_445, %dma_wait3A_622] : memref<104x128xi32, #tpu.memory_space<vmem>> -> memref<1x128xi32, #tpu.memory_space<vmem>>
      %dma_wait3A_624 = tpu.memref_squeeze %dma_wait3A_623 : memref<1x128xi32, #tpu.memory_space<vmem>> -> memref<128xi32, #tpu.memory_space<vmem>>
      %dma_wait3A_625 = arith.constant 0 : i32
      %dma_wait3A_626 = arith.constant 0 : i32
      %dma_wait3A_627 = tpu.memref_slice %arg3[%dma_wait3A_625, %dma_wait3A_626] : memref<1000000x16xf32, #tpu.memory_space<hbm>> -> memref<1000000x16xf32, #tpu.memory_space<hbm>>
      tpu.wait_indirect_dma semaphore(%arg7 : memref<!tpu.dma_semaphore, #tpu.memory_space<semaphore_mem>>) src(%dma_wait3A_627 : memref<1000000x16xf32, #tpu.memory_space<hbm>>) dst(%dma_wait3A_621 : memref<128x16xf32, #tpu.memory_space<vmem>>)
      %dma_wait3A_628 = arith.constant 1 : i32
      %dma_wait3A_629 = arith.constant 768 : i32
      %dma_wait3A_630 = arith.constant 0 : i32
      %dma_wait3A_631 = tpu.memref_slice %arg6[%dma_wait3A_628, %dma_wait3A_629, %dma_wait3A_630] : memref<2x1664x16xf32, #tpu.memory_space<vmem>> -> memref<1x128x16xf32, #tpu.memory_space<vmem>>
      %dma_wait3A_632 = tpu.memref_squeeze %dma_wait3A_631 : memref<1x128x16xf32, #tpu.memory_space<vmem>> -> memref<128x16xf32, #tpu.memory_space<vmem>>
      %dma_wait3A_633 = arith.constant 0 : i32
      %dma_wait3A_634 = tpu.memref_slice %arg5[%add3A_460, %dma_wait3A_633] : memref<104x128xi32, #tpu.memory_space<vmem>> -> memref<1x128xi32, #tpu.memory_space<vmem>>
      %dma_wait3A_635 = tpu.memref_squeeze %dma_wait3A_634 : memref<1x128xi32, #tpu.memory_space<vmem>> -> memref<128xi32, #tpu.memory_space<vmem>>
      %dma_wait3A_636 = arith.constant 0 : i32
      %dma_wait3A_637 = arith.constant 0 : i32
      %dma_wait3A_638 = tpu.memref_slice %arg3[%dma_wait3A_636, %dma_wait3A_637] : memref<1000000x16xf32, #tpu.memory_space<hbm>> -> memref<1000000x16xf32, #tpu.memory_space<hbm>>
      tpu.wait_indirect_dma semaphore(%arg7 : memref<!tpu.dma_semaphore, #tpu.memory_space<semaphore_mem>>) src(%dma_wait3A_638 : memref<1000000x16xf32, #tpu.memory_space<hbm>>) dst(%dma_wait3A_632 : memref<128x16xf32, #tpu.memory_space<vmem>>)
      %dma_wait3A_639 = arith.constant 1 : i32
      %dma_wait3A_640 = arith.constant 896 : i32
      %dma_wait3A_641 = arith.constant 0 : i32
      %dma_wait3A_642 = tpu.memref_slice %arg6[%dma_wait3A_639, %dma_wait3A_640, %dma_wait3A_641] : memref<2x1664x16xf32, #tpu.memory_space<vmem>> -> memref<1x128x16xf32, #tpu.memory_space<vmem>>
      %dma_wait3A_643 = tpu.memref_squeeze %dma_wait3A_642 : memref<1x128x16xf32, #tpu.memory_space<vmem>> -> memref<128x16xf32, #tpu.memory_space<vmem>>
      %dma_wait3A_644 = arith.constant 0 : i32
      %dma_wait3A_645 = tpu.memref_slice %arg5[%add3A_475, %dma_wait3A_644] : memref<104x128xi32, #tpu.memory_space<vmem>> -> memref<1x128xi32, #tpu.memory_space<vmem>>
      %dma_wait3A_646 = tpu.memref_squeeze %dma_wait3A_645 : memref<1x128xi32, #tpu.memory_space<vmem>> -> memref<128xi32, #tpu.memory_space<vmem>>
      %dma_wait3A_647 = arith.constant 0 : i32
      %dma_wait3A_648 = arith.constant 0 : i32
      %dma_wait3A_649 = tpu.memref_slice %arg3[%dma_wait3A_647, %dma_wait3A_648] : memref<1000000x16xf32, #tpu.memory_space<hbm>> -> memref<1000000x16xf32, #tpu.memory_space<hbm>>
      tpu.wait_indirect_dma semaphore(%arg7 : memref<!tpu.dma_semaphore, #tpu.memory_space<semaphore_mem>>) src(%dma_wait3A_649 : memref<1000000x16xf32, #tpu.memory_space<hbm>>) dst(%dma_wait3A_643 : memref<128x16xf32, #tpu.memory_space<vmem>>)
      %dma_wait3A_650 = arith.constant 1 : i32
      %dma_wait3A_651 = arith.constant 1024 : i32
      %dma_wait3A_652 = arith.constant 0 : i32
      %dma_wait3A_653 = tpu.memref_slice %arg6[%dma_wait3A_650, %dma_wait3A_651, %dma_wait3A_652] : memref<2x1664x16xf32, #tpu.memory_space<vmem>> -> memref<1x128x16xf32, #tpu.memory_space<vmem>>
      %dma_wait3A_654 = tpu.memref_squeeze %dma_wait3A_653 : memref<1x128x16xf32, #tpu.memory_space<vmem>> -> memref<128x16xf32, #tpu.memory_space<vmem>>
      %dma_wait3A_655 = arith.constant 0 : i32
      %dma_wait3A_656 = tpu.memref_slice %arg5[%add3A_490, %dma_wait3A_655] : memref<104x128xi32, #tpu.memory_space<vmem>> -> memref<1x128xi32, #tpu.memory_space<vmem>>
      %dma_wait3A_657 = tpu.memref_squeeze %dma_wait3A_656 : memref<1x128xi32, #tpu.memory_space<vmem>> -> memref<128xi32, #tpu.memory_space<vmem>>
      %dma_wait3A_658 = arith.constant 0 : i32
      %dma_wait3A_659 = arith.constant 0 : i32
      %dma_wait3A_660 = tpu.memref_slice %arg3[%dma_wait3A_658, %dma_wait3A_659] : memref<1000000x16xf32, #tpu.memory_space<hbm>> -> memref<1000000x16xf32, #tpu.memory_space<hbm>>
      tpu.wait_indirect_dma semaphore(%arg7 : memref<!tpu.dma_semaphore, #tpu.memory_space<semaphore_mem>>) src(%dma_wait3A_660 : memref<1000000x16xf32, #tpu.memory_space<hbm>>) dst(%dma_wait3A_654 : memref<128x16xf32, #tpu.memory_space<vmem>>)
      %dma_wait3A_661 = arith.constant 1 : i32
      %dma_wait3A_662 = arith.constant 1152 : i32
      %dma_wait3A_663 = arith.constant 0 : i32
      %dma_wait3A_664 = tpu.memref_slice %arg6[%dma_wait3A_661, %dma_wait3A_662, %dma_wait3A_663] : memref<2x1664x16xf32, #tpu.memory_space<vmem>> -> memref<1x128x16xf32, #tpu.memory_space<vmem>>
      %dma_wait3A_665 = tpu.memref_squeeze %dma_wait3A_664 : memref<1x128x16xf32, #tpu.memory_space<vmem>> -> memref<128x16xf32, #tpu.memory_space<vmem>>
      %dma_wait3A_666 = arith.constant 0 : i32
      %dma_wait3A_667 = tpu.memref_slice %arg5[%add3A_505, %dma_wait3A_666] : memref<104x128xi32, #tpu.memory_space<vmem>> -> memref<1x128xi32, #tpu.memory_space<vmem>>
      %dma_wait3A_668 = tpu.memref_squeeze %dma_wait3A_667 : memref<1x128xi32, #tpu.memory_space<vmem>> -> memref<128xi32, #tpu.memory_space<vmem>>
      %dma_wait3A_669 = arith.constant 0 : i32
      %dma_wait3A_670 = arith.constant 0 : i32
      %dma_wait3A_671 = tpu.memref_slice %arg3[%dma_wait3A_669, %dma_wait3A_670] : memref<1000000x16xf32, #tpu.memory_space<hbm>> -> memref<1000000x16xf32, #tpu.memory_space<hbm>>
      tpu.wait_indirect_dma semaphore(%arg7 : memref<!tpu.dma_semaphore, #tpu.memory_space<semaphore_mem>>) src(%dma_wait3A_671 : memref<1000000x16xf32, #tpu.memory_space<hbm>>) dst(%dma_wait3A_665 : memref<128x16xf32, #tpu.memory_space<vmem>>)
      %dma_wait3A_672 = arith.constant 1 : i32
      %dma_wait3A_673 = arith.constant 1280 : i32
      %dma_wait3A_674 = arith.constant 0 : i32
      %dma_wait3A_675 = tpu.memref_slice %arg6[%dma_wait3A_672, %dma_wait3A_673, %dma_wait3A_674] : memref<2x1664x16xf32, #tpu.memory_space<vmem>> -> memref<1x128x16xf32, #tpu.memory_space<vmem>>
      %dma_wait3A_676 = tpu.memref_squeeze %dma_wait3A_675 : memref<1x128x16xf32, #tpu.memory_space<vmem>> -> memref<128x16xf32, #tpu.memory_space<vmem>>
      %dma_wait3A_677 = arith.constant 0 : i32
      %dma_wait3A_678 = tpu.memref_slice %arg5[%add3A_520, %dma_wait3A_677] : memref<104x128xi32, #tpu.memory_space<vmem>> -> memref<1x128xi32, #tpu.memory_space<vmem>>
      %dma_wait3A_679 = tpu.memref_squeeze %dma_wait3A_678 : memref<1x128xi32, #tpu.memory_space<vmem>> -> memref<128xi32, #tpu.memory_space<vmem>>
      %dma_wait3A_680 = arith.constant 0 : i32
      %dma_wait3A_681 = arith.constant 0 : i32
      %dma_wait3A_682 = tpu.memref_slice %arg3[%dma_wait3A_680, %dma_wait3A_681] : memref<1000000x16xf32, #tpu.memory_space<hbm>> -> memref<1000000x16xf32, #tpu.memory_space<hbm>>
      tpu.wait_indirect_dma semaphore(%arg7 : memref<!tpu.dma_semaphore, #tpu.memory_space<semaphore_mem>>) src(%dma_wait3A_682 : memref<1000000x16xf32, #tpu.memory_space<hbm>>) dst(%dma_wait3A_676 : memref<128x16xf32, #tpu.memory_space<vmem>>)
      %dma_wait3A_683 = arith.constant 1 : i32
      %dma_wait3A_684 = arith.constant 1408 : i32
      %dma_wait3A_685 = arith.constant 0 : i32
      %dma_wait3A_686 = tpu.memref_slice %arg6[%dma_wait3A_683, %dma_wait3A_684, %dma_wait3A_685] : memref<2x1664x16xf32, #tpu.memory_space<vmem>> -> memref<1x128x16xf32, #tpu.memory_space<vmem>>
      %dma_wait3A_687 = tpu.memref_squeeze %dma_wait3A_686 : memref<1x128x16xf32, #tpu.memory_space<vmem>> -> memref<128x16xf32, #tpu.memory_space<vmem>>
      %dma_wait3A_688 = arith.constant 0 : i32
      %dma_wait3A_689 = tpu.memref_slice %arg5[%add3A_535, %dma_wait3A_688] : memref<104x128xi32, #tpu.memory_space<vmem>> -> memref<1x128xi32, #tpu.memory_space<vmem>>
      %dma_wait3A_690 = tpu.memref_squeeze %dma_wait3A_689 : memref<1x128xi32, #tpu.memory_space<vmem>> -> memref<128xi32, #tpu.memory_space<vmem>>
      %dma_wait3A_691 = arith.constant 0 : i32
      %dma_wait3A_692 = arith.constant 0 : i32
      %dma_wait3A_693 = tpu.memref_slice %arg3[%dma_wait3A_691, %dma_wait3A_692] : memref<1000000x16xf32, #tpu.memory_space<hbm>> -> memref<1000000x16xf32, #tpu.memory_space<hbm>>
      tpu.wait_indirect_dma semaphore(%arg7 : memref<!tpu.dma_semaphore, #tpu.memory_space<semaphore_mem>>) src(%dma_wait3A_693 : memref<1000000x16xf32, #tpu.memory_space<hbm>>) dst(%dma_wait3A_687 : memref<128x16xf32, #tpu.memory_space<vmem>>)
      %dma_wait3A_694 = arith.constant 1 : i32
      %dma_wait3A_695 = arith.constant 1536 : i32
      %dma_wait3A_696 = arith.constant 0 : i32
      %dma_wait3A_697 = tpu.memref_slice %arg6[%dma_wait3A_694, %dma_wait3A_695, %dma_wait3A_696] : memref<2x1664x16xf32, #tpu.memory_space<vmem>> -> memref<1x128x16xf32, #tpu.memory_space<vmem>>
      %dma_wait3A_698 = tpu.memref_squeeze %dma_wait3A_697 : memref<1x128x16xf32, #tpu.memory_space<vmem>> -> memref<128x16xf32, #tpu.memory_space<vmem>>
      %dma_wait3A_699 = arith.constant 0 : i32
      %dma_wait3A_700 = tpu.memref_slice %arg5[%add3A_550, %dma_wait3A_699] : memref<104x128xi32, #tpu.memory_space<vmem>> -> memref<1x128xi32, #tpu.memory_space<vmem>>
      %dma_wait3A_701 = tpu.memref_squeeze %dma_wait3A_700 : memref<1x128xi32, #tpu.memory_space<vmem>> -> memref<128xi32, #tpu.memory_space<vmem>>
      %dma_wait3A_702 = arith.constant 0 : i32
      %dma_wait3A_703 = arith.constant 0 : i32
      %dma_wait3A_704 = tpu.memref_slice %arg3[%dma_wait3A_702, %dma_wait3A_703] : memref<1000000x16xf32, #tpu.memory_space<hbm>> -> memref<1000000x16xf32, #tpu.memory_space<hbm>>
      tpu.wait_indirect_dma semaphore(%arg7 : memref<!tpu.dma_semaphore, #tpu.memory_space<semaphore_mem>>) src(%dma_wait3A_704 : memref<1000000x16xf32, #tpu.memory_space<hbm>>) dst(%dma_wait3A_698 : memref<128x16xf32, #tpu.memory_space<vmem>>)
      %add3A_705 = arith.constant 1 : i32
      %add3A_706 = arith.addi %mul3A_10, %add3A_705 : i32
      %mul3A_707 = arith.constant 13312 : i32
      %mul3A_708 = arith.muli %add3A, %mul3A_707 : i32
      %mul3A_709 = arith.constant 1664 : i32
      %mul3A_710 = arith.muli %add3A_706, %mul3A_709 : i32
      %add3A_711 = arith.addi %mul3A_708, %mul3A_710 : i32
      %dma_start3A_712 = arith.constant 1 : i32
      %dma_start3A_713 = arith.constant 0 : i32
      %dma_start3A_714 = arith.constant 0 : i32
      %dma_start3A_715 = tpu.memref_slice %arg6[%dma_start3A_712, %dma_start3A_713, %dma_start3A_714] : memref<2x1664x16xf32, #tpu.memory_space<vmem>> -> memref<1x1664x16xf32, #tpu.memory_space<vmem>>
      %dma_start3A_716 = tpu.memref_squeeze %dma_start3A_715 : memref<1x1664x16xf32, #tpu.memory_space<vmem>> -> memref<1664x16xf32, #tpu.memory_space<vmem>>
      %dma_start3A_717 = arith.constant 0 : i32
      %dma_start3A_718 = tpu.memref_slice %arg4[%add3A_711, %dma_start3A_717] : memref<425984x16xf32, #tpu.memory_space<hbm>> -> memref<1664x16xf32, #tpu.memory_space<hbm>>
      %dma_start3A_719 = arith.constant 0 : i32
      %dma_start3A_720 = tpu.memref_slice %arg4[%add3A_711, %dma_start3A_719] : memref<425984x16xf32, #tpu.memory_space<hbm>> -> memref<1664x16xf32, #tpu.memory_space<hbm>>
      %dma_start3A_721 = arith.constant 0 : i32
      %dma_start3A_722 = arith.constant 0 : i32
      %dma_start3A_723 = tpu.memref_slice %arg6[%dma_start3A_712, %dma_start3A_721, %dma_start3A_722] : memref<2x1664x16xf32, #tpu.memory_space<vmem>> -> memref<1x1664x16xf32, #tpu.memory_space<vmem>>
      %dma_start3A_724 = tpu.memref_squeeze %dma_start3A_723 : memref<1x1664x16xf32, #tpu.memory_space<vmem>> -> memref<1664x16xf32, #tpu.memory_space<vmem>>
      tpu.enqueue_dma source(%dma_start3A_724 : memref<1664x16xf32, #tpu.memory_space<vmem>>) target(%dma_start3A_720 : memref<1664x16xf32, #tpu.memory_space<hbm>>) target_semaphore(%arg8 : memref<!tpu.dma_semaphore, #tpu.memory_space<semaphore_mem>>)
      %dma_wait3A_725 = arith.constant 0 : i32
      %dma_wait3A_726 = arith.constant 0 : i32
      %dma_wait3A_727 = arith.constant 0 : i32
      %dma_wait3A_728 = tpu.memref_slice %arg6[%dma_wait3A_725, %dma_wait3A_726, %dma_wait3A_727] : memref<2x1664x16xf32, #tpu.memory_space<vmem>> -> memref<1x1664x16xf32, #tpu.memory_space<vmem>>
      %dma_wait3A_729 = tpu.memref_squeeze %dma_wait3A_728 : memref<1x1664x16xf32, #tpu.memory_space<vmem>> -> memref<1664x16xf32, #tpu.memory_space<vmem>>
      %dma_wait3A_730 = arith.constant 0 : i32
      %dma_wait3A_731 = tpu.memref_slice %arg4[%add3A_351, %dma_wait3A_730] : memref<425984x16xf32, #tpu.memory_space<hbm>> -> memref<1664x16xf32, #tpu.memory_space<hbm>>
      %dma_wait3A_732 = arith.constant 0 : i32
      %dma_wait3A_733 = tpu.memref_slice %arg4[%add3A_351, %dma_wait3A_732] : memref<425984x16xf32, #tpu.memory_space<hbm>> -> memref<1664x16xf32, #tpu.memory_space<hbm>>
      %dma_wait3A_734 = arith.constant 0 : i32
      %dma_wait3A_735 = arith.constant 0 : i32
      %dma_wait3A_736 = tpu.memref_slice %arg6[%dma_wait3A_725, %dma_wait3A_734, %dma_wait3A_735] : memref<2x1664x16xf32, #tpu.memory_space<vmem>> -> memref<1x1664x16xf32, #tpu.memory_space<vmem>>
      %dma_wait3A_737 = tpu.memref_squeeze %dma_wait3A_736 : memref<1x1664x16xf32, #tpu.memory_space<vmem>> -> memref<1664x16xf32, #tpu.memory_space<vmem>>
      tpu.wait_dma2 semaphore(%arg8 : memref<!tpu.dma_semaphore, #tpu.memory_space<semaphore_mem>>) src(%dma_wait3A_737 : memref<1664x16xf32, #tpu.memory_space<vmem>>) dst(%dma_wait3A_733 : memref<1664x16xf32, #tpu.memory_space<hbm>>)
      %dma_wait3A_738 = arith.constant 1 : i32
      %dma_wait3A_739 = arith.constant 0 : i32
      %dma_wait3A_740 = arith.constant 0 : i32
      %dma_wait3A_741 = tpu.memref_slice %arg6[%dma_wait3A_738, %dma_wait3A_739, %dma_wait3A_740] : memref<2x1664x16xf32, #tpu.memory_space<vmem>> -> memref<1x1664x16xf32, #tpu.memory_space<vmem>>
      %dma_wait3A_742 = tpu.memref_squeeze %dma_wait3A_741 : memref<1x1664x16xf32, #tpu.memory_space<vmem>> -> memref<1664x16xf32, #tpu.memory_space<vmem>>
      %dma_wait3A_743 = arith.constant 0 : i32
      %dma_wait3A_744 = tpu.memref_slice %arg4[%add3A_711, %dma_wait3A_743] : memref<425984x16xf32, #tpu.memory_space<hbm>> -> memref<1664x16xf32, #tpu.memory_space<hbm>>
      %dma_wait3A_745 = arith.constant 0 : i32
      %dma_wait3A_746 = tpu.memref_slice %arg4[%add3A_711, %dma_wait3A_745] : memref<425984x16xf32, #tpu.memory_space<hbm>> -> memref<1664x16xf32, #tpu.memory_space<hbm>>
      %dma_wait3A_747 = arith.constant 0 : i32
      %dma_wait3A_748 = arith.constant 0 : i32
      %dma_wait3A_749 = tpu.memref_slice %arg6[%dma_wait3A_738, %dma_wait3A_747, %dma_wait3A_748] : memref<2x1664x16xf32, #tpu.memory_space<vmem>> -> memref<1x1664x16xf32, #tpu.memory_space<vmem>>
      %dma_wait3A_750 = tpu.memref_squeeze %dma_wait3A_749 : memref<1x1664x16xf32, #tpu.memory_space<vmem>> -> memref<1664x16xf32, #tpu.memory_space<vmem>>
      tpu.wait_dma2 semaphore(%arg8 : memref<!tpu.dma_semaphore, #tpu.memory_space<semaphore_mem>>) src(%dma_wait3A_750 : memref<1664x16xf32, #tpu.memory_space<vmem>>) dst(%dma_wait3A_746 : memref<1664x16xf32, #tpu.memory_space<hbm>>)
    }
    %scan3A_7 = arith.constant 4 : i32
    return
  }
}

</mosaic_0001>

<sc_bundles>
// kernel: kernel.3.cloned.1.call-start
scs
__scs_entry_jumppad:
0x0: {  	(pc) =	sbr.rel $0x88, $3  }
0x1: {  	(tag) =	ssettag $0x0;
	lr =	simm.s32 $0x1  }
0x2: {  	[smem:$0x3F9F] =	sst lr;
	_ =	strace $0xD0000000  }
0x3: {  	_ = 	snop  }
0x4: {  	_ = 	snop  }
0x5: {  	_ = 	snop  }
0x6: {  	_ = 	snop  }
0x7: {  	_ = 	snop  }
__scs_overlays_trampoline_lowered:
0x8: {  	[smem:$0x3FAE] =	sst s0  }
0x9: {  	[smem:$0x3FAF] =	sst s1  }
0xa: {  	[smem:$0x3FB0] =	sst s2  }
0xb: {  	[smem:$0x3FB1] =	sst s3  }
0xc: {  	[smem:$0x3FB2] =	sst s4  }
0xd: {  	[smem:$0x3FB3] =	sst s5  }
0xe: {  	[smem:$0x3FB4] =	sst s6  }
0xf: {  	[smem:$0x3FB5] =	sst s7  }
0x10: {  	[smem:$0x3FB6] =	sst s8  }
0x11: {  	[smem:$0x3FB7] =	sst s9;
	s0 =	simm.s32 @!p0 $0x0  }
0x12: {  	s1 =	sld [smem:$0x3F9D];
	s0 =	simm.s32 @p0 $0x1  }
0x13: {  	[smem:$0x3FB8] =	sst s0;
	s0 =	simm.s32 @!p1 $0x0  }
0x14: {  	s2 =	sld [smem:$0x3F9C];
	s0 =	simm.s32 @p1 $0x1  }
0x15: {  	[smem:$0x3FB9] =	sst s0;
	s0 =	simm.s32 @!p2 $0x0  }
0x16: {  	s3 =	sld [smem:$0x3FDB];
	s0 =	simm.s32 @p2 $0x1  }
0x17: {  	s4 =	simm.s32 $0x1BF5;
	[smem:$0x3FBB] =	sst s0  }
0x18: {  	s0 =	sld [smem:$0x3F9E];
	_ =	swait.ge [sflag:s4], $0x0  }
0x19: {  	s7 =	sld [smem:$0x3F9F]  }
0x1a: {  	s8 =	sadd.s32 $0xFFFFE003, lr  }
0x1b: {  	s9 =	sadd.s32 $0xFFFFFEF7, lr;
	s5 =	simm.s32 $0xFFFFFFFF;
	p2 =	slt.u32 s8, $0xFFFFF086  }
0x1c: {  	p1 =	slt.u32 s9, $0xF7A;
	s5 =	simm.s32 @!p2 $0x0  }
0x1d: {  	s5 =	simm.s32 @p1 $0x1;
	p0 =	seq.s32 s7, s2  }
0x1e: {  	s7 =	smul.u32 @!p0 $0xF7A, s2;
	p2 =	seq.s32 @!p0 s5, $0x0  }
0x1f: {  	s9 =	smul.u32 $0xF7A, s1;
	s8 =	simm.s32 @!p0 $0x1BF5;
	p2 =	por !p2, p0  }
0x20: {  	[sflag:s8] =	ssyncset.s32 @!p0 $0xFFFFF086;
	s6 =	sadd.s32 @!p0 s3, s7;
	s7 =	simm.s32 @!p0 $0x108  }
0x21: {  	s3 =	sadd.s32 s3, s9;
	s6 =	sadd.s32 @!p0 $0x88, s6;
	s7 =	simm.s32 @p2 $0x1082  }
0x22: {  	[simem:s7], [sflag:s8] =	dma.local @!p0 [hbm:s6], $0xF7A  }
0x23: {  	s9 =	sor.u32 $0xD0000000, s2;
	s6 =	simm.s32 $0x108;
	_ =	swait.ge @!p0 [sflag:s8], $0x0  }
0x24: {  	s3 =	sadd.s32 $0x88, s3;
	s6 =	simm.s32 @!p1 $0x1082;
	[sflag:s4] =	ssyncset.s32 $0xFFFFF086  }
0x25: {  	[simem:s6], [sflag:s4] =	dma.local [hbm:s3], $0xF7A  }
0x26: {  	[smem:$0x3F9F] =	sst s1;
	(tag) =	ssettag s2;
	_ =	strace s9  }
0x27: {  	s1 =	sld [smem:$0x3FAF]  }
0x28: {  	s2 =	sld [smem:$0x3FB0]  }
0x29: {  	s4 =	sld [smem:$0x3FB2]  }
0x2a: {  	p0 =	seq.s32 s5, $0x0;
	s5 =	sld [smem:$0x3FB3]  }
0x2b: {  	s6 =	sld [smem:$0x3FB4]  }
0x2c: {  	s7 =	sld [smem:$0x3FB5]  }
0x2d: {  	s3 =	simm.s32 $0x108;
	s8 =	sld [smem:$0x3FB6]  }
0x2e: {  	s3 =	simm.s32 @!p0 $0x1082;
	s9 =	sld [smem:$0x3FB7]  }
0x2f: {  	lr =	sadd.s32 s0, s3;
	s0 =	sld [smem:$0x3FAE]  }
0x30: {  	s3 =	sld [smem:$0x3FB1]  }
0x31: {  	[smem:$0x3FBA] =	sst s10  }
0x32: {  	s10 =	sld [smem:$0x3FB8];
	_ =	sdelay $0x3  }
0x33: {  	p0 =	seq.s32 s10, $0x1;
	s10 =	sld [smem:$0x3FBA];
	_ =	sdelay $0x3  }
0x34: {  	[smem:$0x3FBA] =	sst s10  }
0x35: {  	s10 =	sld [smem:$0x3FB9];
	_ =	sdelay $0x3  }
0x36: {  	p1 =	seq.s32 s10, $0x1;
	s10 =	sld [smem:$0x3FBA];
	_ =	sdelay $0x3  }
0x37: {  	[smem:$0x3FBA] =	sst s10  }
0x38: {  	s10 =	sld [smem:$0x3FBB]  }
0x39: {  	_ = 	snop;
	(pc) =	sbr.ind lr, $3  }
0x3a: {  	_ = 	snop  }
0x3b: {  	_ = 	snop  }
0x3c: {  	p2 =	seq.s32 s10, $0x1;
	s10 =	sld [smem:$0x3FBA]  }
0x3d: {  	_ =	shalt  }
0x3e: {  	_ =	shalt  }
0x3f: {  	_ =	shalt  }
0x40: {  	_ =	shalt  }
0x41: {  	_ =	shalt  }
0x42: {  	_ =	shalt  }
0x43: {  	_ =	shalt  }
0x44: {  	_ =	shalt  }
0x45: {  	_ =	shalt  }
0x46: {  	_ =	shalt  }
0x47: {  	_ =	shalt  }
0x48: {  	_ =	shalt  }
0x49: {  	_ =	shalt  }
0x4a: {  	_ =	shalt  }
0x4b: {  	_ =	shalt  }
0x4c: {  	_ =	shalt  }
0x4d: {  	_ =	shalt  }
0x4e: {  	_ =	shalt  }
0x4f: {  	_ =	shalt  }
0x50: {  	_ =	shalt  }
0x51: {  	_ =	shalt  }
0x52: {  	_ =	shalt  }
0x53: {  	_ =	shalt  }
0x54: {  	_ =	shalt  }
0x55: {  	_ =	shalt  }
0x56: {  	_ =	shalt  }
0x57: {  	_ =	shalt  }
0x58: {  	_ =	shalt  }
0x59: {  	_ =	shalt  }
0x5a: {  	_ =	shalt  }
0x5b: {  	_ =	shalt  }
0x5c: {  	_ =	shalt  }
0x5d: {  	_ =	shalt  }
0x5e: {  	_ =	shalt  }
0x5f: {  	_ =	shalt  }
0x60: {  	_ =	shalt  }
0x61: {  	_ =	shalt  }
0x62: {  	_ =	shalt  }
0x63: {  	_ =	shalt  }
0x64: {  	_ =	shalt  }
0x65: {  	_ =	shalt  }
0x66: {  	_ =	shalt  }
0x67: {  	_ =	shalt  }
0x68: {  	_ =	shalt  }
0x69: {  	_ =	shalt  }
0x6a: {  	_ =	shalt  }
0x6b: {  	_ =	shalt  }
0x6c: {  	_ =	shalt  }
0x6d: {  	_ =	shalt  }
0x6e: {  	_ =	shalt  }
0x6f: {  	_ =	shalt  }
0x70: {  	_ =	shalt  }
0x71: {  	_ =	shalt  }
0x72: {  	_ =	shalt  }
0x73: {  	_ =	shalt  }
0x74: {  	_ =	shalt  }
0x75: {  	_ =	shalt  }
0x76: {  	_ =	shalt  }
0x77: {  	_ =	shalt  }
0x78: {  	_ =	shalt  }
0x79: {  	_ =	shalt  }
0x7a: {  	_ =	shalt  }
0x7b: {  	_ =	shalt  }
0x7c: {  	_ =	shalt  }
0x7d: {  	_ =	shalt  }
0x7e: {  	_ =	shalt  }
0x7f: {  	_ =	shalt  }
0x80: {  	_ =	shalt  }
0x81: {  	_ =	shalt  }
0x82: {  	_ =	shalt  }
0x83: {  	_ =	shalt  }
0x84: {  	_ =	shalt  }
0x85: {  	_ =	shalt  }
0x86: {  	_ =	shalt  }
0x87: {  	_ =	shalt  }
.Lfunc_end0:
.L_simem_size_0:
called_computation_lowered:
.L_overlay_start_0:
0x88: {  	s2 =	sld [smem:$0x3FD9]  }
0x89: {  	s3 =	sld [smem:$0x3FFE];
	_ =	sdelay $0x1  }
0x8a: {  	s1 =	srdreg.scid  }
0x8b: {  	s0 =	sand.u32 $0x1, s1  }
0x8c: {  	s17 =	sshll.u32 s0, $0xA;
	s2 =	sadd.s32 s3, s2  }
0x8d: {  	s2 =	sadd.s32 s2, s17  }
0x8e: {  	[smem:$0x3FC6] =	sst s2  }
0x8f: {  	_ = 	snop  }
0x90: {  	s2 =	sld [smem:$0x3FD0];
	(tm) =	ssettm $0x1  }
0x91: {  	s18 =	sld [smem:$0x3FFB];
	_ =	sdelay $0x3  }
0x92: {  	_ =	strace s18  }
0x93: {  	s3 =	sld [smem:$0x3FFC];
	_ =	sdelay $0x3  }
0x94: {  	_ =	strace s3  }
0x95: {  	s3 =	sld [smem:$0x3FFD];
	_ =	sdelay $0x3  }
0x96: {  	_ =	strace s3  }
0x97: {  	_ =	strace $0x8FFFFFFF  }
0x98: {  	s19 =	sld [smem:$0x3FDB];
	_ =	sdelay $0x1  }
0x99: {  	s4 =	simm.s32 $_scs_section_size  }
0x9a: {  	s5 =	simm.s32 $_size__tile_overlayer_lowered;
	s6 =	simm.s32 $_tile_overlayer_lowered  }
0x9b: {  	s22 =	simm.s32 $0x1BFF;
	s21 =	sshll.u32 s6, $0x1;
	s3 =	sadd.s32 s4, s19  }
0x9c: {  	s7 =	simm.s32 $0x0;
	s20 =	sshll.u32 s5, $0x1;
	s5 =	sadd.s32 s21, s3  }
0x9d: {  	[timem:s7], [sflag:s22] =	dma.local [hbm:s5], s20  }
0x9e: {  	_ =	swait.ge [sflag:s22], s20  }
0x9f: {  	s4 =	ssub.s32 $0x0, s20;
	[sflag:s22] =	ssyncset.done $0x0  }
0xa0: {  	[sflag:s22] =	ssyncadd.s32 s4;
	_ =	sdelay $0x1  }
0xa1: {  	s23 =	simm.s32 $0x1B8B  }
0xa2: {  	_ =	swait.ge [sflag:s23], $0x1  }
0xa3: {  	[sflag:s23] =	ssyncset.done $0x0  }
0xa4: {  	s25 =	simm.s32 $0x1B8E;
	s24 =	sld [smem:$0x3FFE];
	[sflag:s23] =	ssyncadd.s32 $0xFFFFFFFF  }
0xa5: {  	s26 =	simm.s32 $execute0_lowered;
	[smem:$0x3FD2] =	sst s25  }
0xa6: {  	s5 =	sshll.u32 s26, $0x1;
	_ =	strace $0x80000046;
	[dreg:$0x1] =	wrdreg $0xFFFFFFFF  }
0xa7: {  	s28 =	simm.s32 $_size_execute0_lowered;
	s3 =	sadd.s32 s3, s5;
	[dreg:$0x0] =	wrdreg $0x0  }
0xa8: {  	s5 =	sshll.u32 s28, $0x1;
	[dreg:$0x2] =	wrdreg s3  }
0xa9: {  	[dreg:$0x3] =	wrdreg s5  }
0xaa: {  	[dreg:$0x4] =	wrdreg $0xC0  }
0xab: {  	_ =	task [dreg:s7], $0x5FFFF  }
0xac: {  	[dreg:$0x1] =	wrdreg $0xFFFFFFFF  }
0xad: {  	[dreg:$0x0] =	wrdreg $0x60  }
0xae: {  	[dreg:$0x2] =	wrdreg s24  }
0xaf: {  	[dreg:$0x3] =	wrdreg s2  }
0xb0: {  	[dreg:$0x4] =	wrdreg $0x9  }
0xb1: {  	_ =	task.clear_ibuf [dreg:s7], $0x5FFFF;
	_ =	strace $0x90000046  }
0xb2: {  	s29 =	simm.s32 $0x9;
	_ =	strace $0x80000048  }
0xb3: {  	_ =	swait.ge [sflag:s29], $0x1  }
0xb4: {  	[sflag:s29] =	ssyncadd.s32 $0xFFFFFFFF  }
0xb5: {  	_ =	strace $0x90000048  }
0xb6: {  	_ =	sfence  }
0xb7: {  	s30 =	sld [smem:$0x0];
	_ =	sdelay $0x2  }
0xb8: {  	s31 =	sshll.u32 s1, $0xD;
	s1 =	sshrl.u32 s1, $0x2  }
0xb9: {  	s3 =	sand.u32 $0x4000, s31;
	s1 =	sadd.s32 s1, s30  }
0xba: {  	s0 =	sor.u32 s3, s0;
	s1 =	sshll.u32 s1, $0x11  }
0xbb: {  	s0 =	sor.u32 s1, s0  }
0xbc: {  	s0 =	sadd.s32 $0x8F2B, s0  }
0xbd: {  	[sflag:s0] =	ssyncadd.remote.s32 $0x1  }
0xbe: {  	_ =	sfence.sel $0xFFFF  }
0xbf: {  	[dreg:$0x0] =	wrdreg $0xFFFFFFFF;
	(pc) =	sbr.abs _section_cstart, $3  }
0xc0: {  	[dreg:$0x1] =	wrdreg $0xFFFFFFFF  }
0xc1: {  	_ =	task.clear_ibuf [dreg:s7], $0x2FFFF;
	_ =	strace $0x9FFFFFFF  }
0xc2: {  	(tm) =	ssettm $0x7FFFFFFF  }
0xc3: {  	_ =	shalt  }
tec
execute0_lowered:
.L_overlay_start_1:
0x0: {  	(tag) =	ssettag $0x1  }
0x1: {  	s3 =	rddreg [dreg:$0x0]  }
0x2: {  	s7 =	rddreg [dreg:$0x1]  }
0x3: {  	s0 =	rddreg [dreg:$0x2];
	s2 =	simm.s32 $0x0  }
0x4: {  	s5 =	simm.s32 $0x3C00;
	[smem:$0x7FF] =	sst s2  }
0x5: {  	s31 =	simm.s32 $0x4400;
	_ =	strace $0x80000047;
	[dreg:$0x3] =	wrdreg s5  }
0x6: {  	s8 =	simm.s32 $0x4C00;
	[dreg:$0x4] =	wrdreg s31  }
0x7: {  	s9 =	simm.s32 $0x5400;
	[dreg:$0x5] =	wrdreg s8  }
0x8: {  	s10 =	simm.s32 $0x5C00;
	[dreg:$0x6] =	wrdreg s9  }
0x9: {  	s11 =	simm.s32 $0x6400;
	[dreg:$0x7] =	wrdreg s10  }
0xa: {  	s12 =	simm.s32 $0x6C00;
	[dreg:$0x8] =	wrdreg s11  }
0xb: {  	s13 =	simm.s32 $0x7400;
	[dreg:$0x9] =	wrdreg s12  }
0xc: {  	s15 =	simm.s32 $0x8400;
	[dreg:$0xa] =	wrdreg s13  }
0xd: {  	s16 =	simm.s32 $0x8C00;
	[dreg:$0xc] =	wrdreg s15  }
0xe: {  	s18 =	simm.s32 $0x9400;
	[dreg:$0xd] =	wrdreg s16  }
0xf: {  	s4 =	srdreg.scid;
	s19 =	simm.s32 $0xA400;
	[dreg:$0xe] =	wrdreg s18  }
0x10: {  	s1 =	stileid.u32;
	s20 =	simm.s32 $0xAC00;
	[dreg:$0xf] =	wrdreg s19  }
0x11: {  	s21 =	simm.s32 $0xB400;
	s23 =	simm.s32 $0xBC00;
	[dreg:$0x10] =	wrdreg s20  }
0x12: {  	s24 =	simm.s32 $0xC400;
	s25 =	simm.s32 $0xCC00;
	[dreg:$0x11] =	wrdreg s21  }
0x13: {  	s26 =	simm.s32 $0xD400;
	s28 =	simm.s32 $0xDC00;
	[dreg:$0x12] =	wrdreg s23  }
0x14: {  	s29 =	simm.s32 $0xE400;
	s6 =	sand.u32 $0x1, s4;
	[dreg:$0x13] =	wrdreg s24  }
0x15: {  	s30 =	sshll.u32 s1, $0x1;
	s14 =	smul.u32 $0xD000, s1;
	[dreg:$0x14] =	wrdreg s25  }
0x16: {  	s4 =	sor.u32 s6, s30;
	s17 =	smul.u32 $0x6800, s6;
	[dreg:$0x15] =	wrdreg s26  }
0x17: {  	s8 =	ssub.s32 $0x2, s6;
	s11 =	smul.u32 $0x6800, s1;
	[dreg:$0x16] =	wrdreg s28  }
0x18: {  	s10 =	simm.s32 $0x7C00;
	s12 =	smul.u32 $0x3400, s6;
	[dreg:$0x17] =	wrdreg s29  }
0x19: {  	s30 =	simm.s32 $0xEC00;
	s13 =	simm.s32 $0xF400;
	[dreg:$0xb] =	wrdreg s10  }
0x1a: {  	s31 =	simm.s32 $0xFC00;
	s4 =	smul.u32 $0x680, s4;
	[dreg:$0x18] =	wrdreg s30  }
0x1b: {  	s9 =	sshrl.u32 s8, $0x1;
	s10 =	simm.s32 $0x3400;
	[dreg:$0x19] =	wrdreg s13  }
0x1c: {  	[dreg:$0x1a] =	wrdreg s31;
	s13 =	simm.s32 $0x2;
	s8 =	ssub.s32 s8, s9  }
0x1d: {  	s9 =	sadd.s32 s14, s7;
	s22 =	sadd.s32 s12, s11;
	s11 =	simm.s32 $0x1  }
0x1e: {  	s12 =	simm.s32 $0x9C00;
	s14 =	simm.s32 $0x0;
	s4 =	sadd.s32 s4, s3  }
0x1f: {  	s3 =	sadd.s32 $0xF42A00, s3;
	s6 =	sadd.s32 s17, s9;
	s9 =	sshll.u32 s22, $0x1  }
0x20: {  	s5 =	smax.u32 s8, $0x1;
	s8 =	simm.s32 $0x3;
	s7 =	sadd.s32 s7, s9  }
0x21: {  	s4 =	sadd.s32 $0x600, s4;
	s9 =	simm.s32 $0x80;
	s7 =	sadd.s32 $0xD00, s7  }
.LBB2_1:
0x22: {  	[tilespmem:s2], [sflag:$0x3] =	stream.linear.gather [hbm4b:s4+s2], $0x3400, $0x38;
	[tilespmem:$0x10400] =	vst v63  }
0x23: {  	_ =	swait.ge [sflag:s8], $0x3400  }
0x24: {  	[sflag:s8] =	ssyncset.done $0x0  }
0x25: {  	s15 =	simm.s32 $0x0;
	[sflag:s8] =	ssyncadd.s32 $0xFFFFCC00  }
0x26: {  	[tilespmem:s10], [sflag:$0x1] =	stream.indirect.gather [hbm4b:s3+s9], $0x10, s15, s9, $0xb8;
	[tilespmem:$0x10400] =	vst v63  }
0x27: {  	s24 =	simm.s32 $0x80;
	s16 =	rddreg [dreg:$0x3]  }
0x28: {  	[tilespmem:s16], [sflag:$0x1] =	stream.indirect.gather [hbm4b:s3+s9], $0x10, s24, s9, $0xb8;
	[tilespmem:$0x10400] =	vst v63  }
0x29: {  	s25 =	simm.s32 $0x100;
	s17 =	rddreg [dreg:$0x4]  }
0x2a: {  	[tilespmem:s17], [sflag:$0x1] =	stream.indirect.gather [hbm4b:s3+s9], $0x10, s25, s9, $0xb8;
	[tilespmem:$0x10400] =	vst v63  }
0x2b: {  	s28 =	simm.s32 $0x180;
	s26 =	rddreg [dreg:$0x5]  }
0x2c: {  	[tilespmem:s26], [sflag:$0x1] =	stream.indirect.gather [hbm4b:s3+s9], $0x10, s28, s9, $0xb8;
	[tilespmem:$0x10400] =	vst v63  }
0x2d: {  	s30 =	simm.s32 $0x200;
	s29 =	rddreg [dreg:$0x6]  }
0x2e: {  	[tilespmem:s29], [sflag:$0x1] =	stream.indirect.gather [hbm4b:s3+s9], $0x10, s30, s9, $0xb8;
	[tilespmem:$0x10400] =	vst v63  }
0x2f: {  	s31 =	rddreg [dreg:$0x7];
	s17 =	simm.s32 $0x280  }
0x30: {  	[tilespmem:s31], [sflag:$0x1] =	stream.indirect.gather [hbm4b:s3+s9], $0x10, s17, s9, $0xb8;
	[tilespmem:$0x10400] =	vst v63  }
0x31: {  	s19 =	simm.s32 $0x300;
	s18 =	rddreg [dreg:$0x8]  }
0x32: {  	[tilespmem:s18], [sflag:$0x1] =	stream.indirect.gather [hbm4b:s3+s9], $0x10, s19, s9, $0xb8;
	[tilespmem:$0x10400] =	vst v63  }
0x33: {  	s21 =	simm.s32 $0x380;
	s20 =	rddreg [dreg:$0x9]  }
0x34: {  	[tilespmem:s20], [sflag:$0x1] =	stream.indirect.gather [hbm4b:s3+s9], $0x10, s21, s9, $0xb8;
	[tilespmem:$0x10400] =	vst v63  }
0x35: {  	s23 =	simm.s32 $0x400;
	s22 =	rddreg [dreg:$0xa]  }
0x36: {  	[tilespmem:s22], [sflag:$0x1] =	stream.indirect.gather [hbm4b:s3+s9], $0x10, s23, s9, $0xb8;
	[tilespmem:$0x10400] =	vst v63  }
0x37: {  	s24 =	rddreg [dreg:$0xb];
	s25 =	simm.s32 $0x480  }
0x38: {  	[tilespmem:s24], [sflag:$0x1] =	stream.indirect.gather [hbm4b:s3+s9], $0x10, s25, s9, $0xb8;
	[tilespmem:$0x10400] =	vst v63  }
0x39: {  	s26 =	rddreg [dreg:$0xc];
	s28 =	simm.s32 $0x500  }
0x3a: {  	[tilespmem:s26], [sflag:$0x1] =	stream.indirect.gather [hbm4b:s3+s9], $0x10, s28, s9, $0xb8;
	[tilespmem:$0x10400] =	vst v63  }
0x3b: {  	s29 =	rddreg [dreg:$0xd];
	s30 =	simm.s32 $0x580  }
0x3c: {  	[tilespmem:s29], [sflag:$0x1] =	stream.indirect.gather [hbm4b:s3+s9], $0x10, s30, s9, $0xb8;
	[tilespmem:$0x10400] =	vst v63  }
0x3d: {  	s31 =	rddreg [dreg:$0xe];
	s18 =	simm.s32 $0x600  }
0x3e: {  	[tilespmem:s31], [sflag:$0x1] =	stream.indirect.gather [hbm4b:s3+s9], $0x10, s18, s9, $0xb8;
	[tilespmem:$0x10400] =	vst v63  }
0x3f: {  	_ =	swait.ge [sflag:s11], $0x800  }
0x40: {  	[sflag:s11] =	ssyncset.done $0x0  }
0x41: {  	[sflag:s11] =	ssyncadd.s32 $0xFFFFF800  }
0x42: {  	_ =	swait.ge [sflag:s11], $0x800  }
0x43: {  	[sflag:s11] =	ssyncset.done $0x0  }
0x44: {  	[sflag:s11] =	ssyncadd.s32 $0xFFFFF800  }
0x45: {  	_ =	swait.ge [sflag:s11], $0x800  }
0x46: {  	[sflag:s11] =	ssyncset.done $0x0  }
0x47: {  	[sflag:s11] =	ssyncadd.s32 $0xFFFFF800  }
0x48: {  	_ =	swait.ge [sflag:s11], $0x800  }
0x49: {  	[sflag:s11] =	ssyncset.done $0x0  }
0x4a: {  	[sflag:s11] =	ssyncadd.s32 $0xFFFFF800  }
0x4b: {  	_ =	swait.ge [sflag:s11], $0x800  }
0x4c: {  	[sflag:s11] =	ssyncset.done $0x0  }
0x4d: {  	[sflag:s11] =	ssyncadd.s32 $0xFFFFF800  }
0x4e: {  	_ =	swait.ge [sflag:s11], $0x800  }
0x4f: {  	[sflag:s11] =	ssyncset.done $0x0  }
0x50: {  	[sflag:s11] =	ssyncadd.s32 $0xFFFFF800  }
0x51: {  	_ =	swait.ge [sflag:s11], $0x800  }
0x52: {  	[sflag:s11] =	ssyncset.done $0x0  }
0x53: {  	[sflag:s11] =	ssyncadd.s32 $0xFFFFF800  }
0x54: {  	_ =	swait.ge [sflag:s11], $0x800  }
0x55: {  	[sflag:s11] =	ssyncset.done $0x0  }
0x56: {  	[sflag:s11] =	ssyncadd.s32 $0xFFFFF800  }
0x57: {  	_ =	swait.ge [sflag:s11], $0x800  }
0x58: {  	[sflag:s11] =	ssyncset.done $0x0  }
0x59: {  	[sflag:s11] =	ssyncadd.s32 $0xFFFFF800  }
0x5a: {  	_ =	swait.ge [sflag:s11], $0x800  }
0x5b: {  	[sflag:s11] =	ssyncset.done $0x0  }
0x5c: {  	[sflag:s11] =	ssyncadd.s32 $0xFFFFF800  }
0x5d: {  	_ =	swait.ge [sflag:s11], $0x800  }
0x5e: {  	[sflag:s11] =	ssyncset.done $0x0  }
0x5f: {  	[sflag:s11] =	ssyncadd.s32 $0xFFFFF800  }
0x60: {  	_ =	swait.ge [sflag:s11], $0x800  }
0x61: {  	[sflag:s11] =	ssyncset.done $0x0  }
0x62: {  	[sflag:s11] =	ssyncadd.s32 $0xFFFFF800  }
0x63: {  	_ =	swait.ge [sflag:s11], $0x800  }
0x64: {  	[sflag:s11] =	ssyncset.done $0x0  }
0x65: {  	[sflag:s11] =	ssyncadd.s32 $0xFFFFF800  }
0x66: {  	[hbm4b:s6+s2] =	stream.linear.scatter [tilespmem:s10], [sflag:$0x2], $0x6800, $0x38;
	[tilespmem:$0x10400] =	vst v63  }
0x67: {  	s19 =	simm.s32 $0x680  }
0x68: {  	[tilespmem:s12], [sflag:$0x1] =	stream.indirect.gather [hbm4b:s3+s9], $0x10, s19, s9, $0xb8;
	[tilespmem:$0x10400] =	vst v63  }
0x69: {  	s21 =	simm.s32 $0x700;
	s20 =	rddreg [dreg:$0xf]  }
0x6a: {  	[tilespmem:s20], [sflag:$0x1] =	stream.indirect.gather [hbm4b:s3+s9], $0x10, s21, s9, $0xb8;
	[tilespmem:$0x10400] =	vst v63  }
0x6b: {  	s23 =	simm.s32 $0x780;
	s22 =	rddreg [dreg:$0x10]  }
0x6c: {  	[tilespmem:s22], [sflag:$0x1] =	stream.indirect.gather [hbm4b:s3+s9], $0x10, s23, s9, $0xb8;
	[tilespmem:$0x10400] =	vst v63  }
0x6d: {  	s25 =	simm.s32 $0x800;
	s24 =	rddreg [dreg:$0x11]  }
0x6e: {  	[tilespmem:s24], [sflag:$0x1] =	stream.indirect.gather [hbm4b:s3+s9], $0x10, s25, s9, $0xb8;
	[tilespmem:$0x10400] =	vst v63  }
0x6f: {  	s28 =	simm.s32 $0x880;
	s26 =	rddreg [dreg:$0x12]  }
0x70: {  	[tilespmem:s26], [sflag:$0x1] =	stream.indirect.gather [hbm4b:s3+s9], $0x10, s28, s9, $0xb8;
	[tilespmem:$0x10400] =	vst v63  }
0x71: {  	s30 =	simm.s32 $0x900;
	s29 =	rddreg [dreg:$0x13]  }
0x72: {  	[tilespmem:s29], [sflag:$0x1] =	stream.indirect.gather [hbm4b:s3+s9], $0x10, s30, s9, $0xb8;
	[tilespmem:$0x10400] =	vst v63  }
0x73: {  	s18 =	simm.s32 $0x980;
	s31 =	rddreg [dreg:$0x14]  }
0x74: {  	[tilespmem:s31], [sflag:$0x1] =	stream.indirect.gather [hbm4b:s3+s9], $0x10, s18, s9, $0xb8;
	[tilespmem:$0x10400] =	vst v63  }
0x75: {  	s19 =	rddreg [dreg:$0x15];
	s20 =	simm.s32 $0xA00  }
0x76: {  	[tilespmem:s19], [sflag:$0x1] =	stream.indirect.gather [hbm4b:s3+s9], $0x10, s20, s9, $0xb8;
	[tilespmem:$0x10400] =	vst v63  }
0x77: {  	s21 =	rddreg [dreg:$0x16];
	s22 =	simm.s32 $0xA80  }
0x78: {  	[tilespmem:s21], [sflag:$0x1] =	stream.indirect.gather [hbm4b:s3+s9], $0x10, s22, s9, $0xb8;
	[tilespmem:$0x10400] =	vst v63  }
0x79: {  	s23 =	rddreg [dreg:$0x17];
	s24 =	simm.s32 $0xB00  }
0x7a: {  	[tilespmem:s23], [sflag:$0x1] =	stream.indirect.gather [hbm4b:s3+s9], $0x10, s24, s9, $0xb8;
	[tilespmem:$0x10400] =	vst v63  }
0x7b: {  	s25 =	rddreg [dreg:$0x18];
	s26 =	simm.s32 $0xB80  }
0x7c: {  	[tilespmem:s25], [sflag:$0x1] =	stream.indirect.gather [hbm4b:s3+s9], $0x10, s26, s9, $0xb8;
	[tilespmem:$0x10400] =	vst v63  }
0x7d: {  	s28 =	rddreg [dreg:$0x19];
	s29 =	simm.s32 $0xC00  }
0x7e: {  	[tilespmem:s28], [sflag:$0x1] =	stream.indirect.gather [hbm4b:s3+s9], $0x10, s29, s9, $0xb8;
	[tilespmem:$0x10400] =	vst v63  }
0x7f: {  	s30 =	rddreg [dreg:$0x1a];
	s31 =	simm.s32 $0xC80  }
0x80: {  	[tilespmem:s30], [sflag:$0x1] =	stream.indirect.gather [hbm4b:s3+s9], $0x10, s31, s9, $0xb8;
	[tilespmem:$0x10400] =	vst v63  }
0x81: {  	_ =	swait.ge [sflag:s11], $0x800  }
0x82: {  	[sflag:s11] =	ssyncset.done $0x0  }
0x83: {  	[sflag:s11] =	ssyncadd.s32 $0xFFFFF800  }
0x84: {  	_ =	swait.ge [sflag:s11], $0x800  }
0x85: {  	[sflag:s11] =	ssyncset.done $0x0  }
0x86: {  	[sflag:s11] =	ssyncadd.s32 $0xFFFFF800  }
0x87: {  	_ =	swait.ge [sflag:s11], $0x800  }
0x88: {  	[sflag:s11] =	ssyncset.done $0x0  }
0x89: {  	[sflag:s11] =	ssyncadd.s32 $0xFFFFF800  }
0x8a: {  	_ =	swait.ge [sflag:s11], $0x800  }
0x8b: {  	[sflag:s11] =	ssyncset.done $0x0  }
0x8c: {  	[sflag:s11] =	ssyncadd.s32 $0xFFFFF800  }
0x8d: {  	_ =	swait.ge [sflag:s11], $0x800  }
0x8e: {  	[sflag:s11] =	ssyncset.done $0x0  }
0x8f: {  	[sflag:s11] =	ssyncadd.s32 $0xFFFFF800  }
0x90: {  	_ =	swait.ge [sflag:s11], $0x800  }
0x91: {  	[sflag:s11] =	ssyncset.done $0x0  }
0x92: {  	[sflag:s11] =	ssyncadd.s32 $0xFFFFF800  }
0x93: {  	_ =	swait.ge [sflag:s11], $0x800  }
0x94: {  	[sflag:s11] =	ssyncset.done $0x0  }
0x95: {  	[sflag:s11] =	ssyncadd.s32 $0xFFFFF800  }
0x96: {  	_ =	swait.ge [sflag:s11], $0x800  }
0x97: {  	[sflag:s11] =	ssyncset.done $0x0  }
0x98: {  	[sflag:s11] =	ssyncadd.s32 $0xFFFFF800  }
0x99: {  	_ =	swait.ge [sflag:s11], $0x800  }
0x9a: {  	[sflag:s11] =	ssyncset.done $0x0  }
0x9b: {  	[sflag:s11] =	ssyncadd.s32 $0xFFFFF800  }
0x9c: {  	_ =	swait.ge [sflag:s11], $0x800  }
0x9d: {  	[sflag:s11] =	ssyncset.done $0x0  }
0x9e: {  	[sflag:s11] =	ssyncadd.s32 $0xFFFFF800  }
0x9f: {  	_ =	swait.ge [sflag:s11], $0x800  }
0xa0: {  	[sflag:s11] =	ssyncset.done $0x0  }
0xa1: {  	[sflag:s11] =	ssyncadd.s32 $0xFFFFF800  }
0xa2: {  	_ =	swait.ge [sflag:s11], $0x800  }
0xa3: {  	[sflag:s11] =	ssyncset.done $0x0  }
0xa4: {  	[sflag:s11] =	ssyncadd.s32 $0xFFFFF800  }
0xa5: {  	_ =	swait.ge [sflag:s11], $0x800  }
0xa6: {  	[sflag:s11] =	ssyncset.done $0x0  }
0xa7: {  	[sflag:s11] =	ssyncadd.s32 $0xFFFFF800  }
0xa8: {  	[hbm4b:s7+s2] =	stream.linear.scatter [tilespmem:s12], [sflag:$0x2], $0x6800, $0x38;
	[tilespmem:$0x10400] =	vst v63  }
0xa9: {  	_ =	swait.ge [sflag:s13], $0x6800  }
0xaa: {  	[sflag:s13] =	ssyncset.done $0x0  }
0xab: {  	[sflag:s13] =	ssyncadd.s32 $0xFFFF9800  }
0xac: {  	s15 =	simm.s32 $0x3400;
	_ =	swait.ge [sflag:s13], $0x6800  }
0xad: {  	s16 =	smov.u32 s6;
	s17 =	smov.u32 s7;
	[sflag:s13] =	ssyncset.done $0x0  }
.LBB2_2:
0xae: {  	[sflag:s13] =	ssyncadd.s32 $0xFFFF9800;
	s18 =	sshra.s32 s15, $0x2  }
0xaf: {  	[tilespmem:s10], [sflag:$0x1] =	stream.indirect.gather [hbm4b:s3+s9], $0x10, s18, s9, $0xb8;
	[tilespmem:$0x10400] =	vst v63  }
0xb0: {  	s19 =	rddreg [dreg:$0x3];
	s20 =	sadd.s32 $0x80, s18  }
0xb1: {  	[tilespmem:s19], [sflag:$0x1] =	stream.indirect.gather [hbm4b:s3+s9], $0x10, s20, s9, $0xb8;
	[tilespmem:$0x10400] =	vst v63  }
0xb2: {  	s21 =	rddreg [dreg:$0x4];
	s25 =	sadd.s32 $0x100, s18  }
0xb3: {  	[tilespmem:s21], [sflag:$0x1] =	stream.indirect.gather [hbm4b:s3+s9], $0x10, s25, s9, $0xb8;
	[tilespmem:$0x10400] =	vst v63  }
0xb4: {  	s26 =	rddreg [dreg:$0x5];
	s28 =	sadd.s32 $0x180, s18  }
0xb5: {  	[tilespmem:s26], [sflag:$0x1] =	stream.indirect.gather [hbm4b:s3+s9], $0x10, s28, s9, $0xb8;
	[tilespmem:$0x10400] =	vst v63  }
0xb6: {  	s29 =	rddreg [dreg:$0x6];
	s30 =	sadd.s32 $0x200, s18  }
0xb7: {  	[tilespmem:s29], [sflag:$0x1] =	stream.indirect.gather [hbm4b:s3+s9], $0x10, s30, s9, $0xb8;
	[tilespmem:$0x10400] =	vst v63  }
0xb8: {  	s31 =	rddreg [dreg:$0x7];
	s21 =	sadd.s32 $0x280, s18  }
0xb9: {  	[tilespmem:s31], [sflag:$0x1] =	stream.indirect.gather [hbm4b:s3+s9], $0x10, s21, s9, $0xb8;
	[tilespmem:$0x10400] =	vst v63  }
0xba: {  	s22 =	rddreg [dreg:$0x8];
	s23 =	sadd.s32 $0x300, s18  }
0xbb: {  	[tilespmem:s22], [sflag:$0x1] =	stream.indirect.gather [hbm4b:s3+s9], $0x10, s23, s9, $0xb8;
	[tilespmem:$0x10400] =	vst v63  }
0xbc: {  	s24 =	rddreg [dreg:$0x9];
	s25 =	sadd.s32 $0x380, s18  }
0xbd: {  	[tilespmem:s24], [sflag:$0x1] =	stream.indirect.gather [hbm4b:s3+s9], $0x10, s25, s9, $0xb8;
	[tilespmem:$0x10400] =	vst v63  }
0xbe: {  	s26 =	rddreg [dreg:$0xa];
	s28 =	sadd.s32 $0x400, s18  }
0xbf: {  	[tilespmem:s26], [sflag:$0x1] =	stream.indirect.gather [hbm4b:s3+s9], $0x10, s28, s9, $0xb8;
	[tilespmem:$0x10400] =	vst v63  }
0xc0: {  	s29 =	rddreg [dreg:$0xb];
	s30 =	sadd.s32 $0x480, s18  }
0xc1: {  	[tilespmem:s29], [sflag:$0x1] =	stream.indirect.gather [hbm4b:s3+s9], $0x10, s30, s9, $0xb8;
	[tilespmem:$0x10400] =	vst v63  }
0xc2: {  	s31 =	rddreg [dreg:$0xc];
	s22 =	sadd.s32 $0x500, s18  }
0xc3: {  	[tilespmem:s31], [sflag:$0x1] =	stream.indirect.gather [hbm4b:s3+s9], $0x10, s22, s9, $0xb8;
	[tilespmem:$0x10400] =	vst v63  }
0xc4: {  	s23 =	rddreg [dreg:$0xd];
	s24 =	sadd.s32 $0x580, s18  }
0xc5: {  	[tilespmem:s23], [sflag:$0x1] =	stream.indirect.gather [hbm4b:s3+s9], $0x10, s24, s9, $0xb8;
	[tilespmem:$0x10400] =	vst v63  }
0xc6: {  	s25 =	rddreg [dreg:$0xe];
	s26 =	sadd.s32 $0x600, s18  }
0xc7: {  	[tilespmem:s25], [sflag:$0x1] =	stream.indirect.gather [hbm4b:s3+s9], $0x10, s26, s9, $0xb8;
	[tilespmem:$0x10400] =	vst v63  }
0xc8: {  	_ =	swait.ge [sflag:s11], $0x800  }
0xc9: {  	[sflag:s11] =	ssyncset.done $0x0  }
0xca: {  	[sflag:s11] =	ssyncadd.s32 $0xFFFFF800  }
0xcb: {  	_ =	swait.ge [sflag:s11], $0x800  }
0xcc: {  	[sflag:s11] =	ssyncset.done $0x0  }
0xcd: {  	[sflag:s11] =	ssyncadd.s32 $0xFFFFF800  }
0xce: {  	_ =	swait.ge [sflag:s11], $0x800  }
0xcf: {  	[sflag:s11] =	ssyncset.done $0x0  }
0xd0: {  	[sflag:s11] =	ssyncadd.s32 $0xFFFFF800  }
0xd1: {  	_ =	swait.ge [sflag:s11], $0x800  }
0xd2: {  	[sflag:s11] =	ssyncset.done $0x0  }
0xd3: {  	[sflag:s11] =	ssyncadd.s32 $0xFFFFF800  }
0xd4: {  	_ =	swait.ge [sflag:s11], $0x800  }
0xd5: {  	[sflag:s11] =	ssyncset.done $0x0  }
0xd6: {  	[sflag:s11] =	ssyncadd.s32 $0xFFFFF800  }
0xd7: {  	_ =	swait.ge [sflag:s11], $0x800  }
0xd8: {  	[sflag:s11] =	ssyncset.done $0x0  }
0xd9: {  	[sflag:s11] =	ssyncadd.s32 $0xFFFFF800  }
0xda: {  	_ =	swait.ge [sflag:s11], $0x800  }
0xdb: {  	[sflag:s11] =	ssyncset.done $0x0  }
0xdc: {  	[sflag:s11] =	ssyncadd.s32 $0xFFFFF800  }
0xdd: {  	_ =	swait.ge [sflag:s11], $0x800  }
0xde: {  	[sflag:s11] =	ssyncset.done $0x0  }
0xdf: {  	[sflag:s11] =	ssyncadd.s32 $0xFFFFF800  }
0xe0: {  	_ =	swait.ge [sflag:s11], $0x800  }
0xe1: {  	[sflag:s11] =	ssyncset.done $0x0  }
0xe2: {  	[sflag:s11] =	ssyncadd.s32 $0xFFFFF800  }
0xe3: {  	_ =	swait.ge [sflag:s11], $0x800  }
0xe4: {  	[sflag:s11] =	ssyncset.done $0x0  }
0xe5: {  	[sflag:s11] =	ssyncadd.s32 $0xFFFFF800  }
0xe6: {  	_ =	swait.ge [sflag:s11], $0x800  }
0xe7: {  	[sflag:s11] =	ssyncset.done $0x0  }
0xe8: {  	[sflag:s11] =	ssyncadd.s32 $0xFFFFF800  }
0xe9: {  	_ =	swait.ge [sflag:s11], $0x800  }
0xea: {  	[sflag:s11] =	ssyncset.done $0x0  }
0xeb: {  	[sflag:s11] =	ssyncadd.s32 $0xFFFFF800  }
0xec: {  	_ =	swait.ge [sflag:s11], $0x800  }
0xed: {  	[sflag:s11] =	ssyncset.done $0x0  }
0xee: {  	s16 =	sadd.s32 $0x1A00, s16;
	[sflag:s11] =	ssyncadd.s32 $0xFFFFF800  }
0xef: {  	[hbm4b:s16+s2] =	stream.linear.scatter [tilespmem:s10], [sflag:$0x2], $0x6800, $0x38;
	[tilespmem:$0x10400] =	vst v63  }
0xf0: {  	s28 =	sadd.s32 $0x680, s18  }
0xf1: {  	[tilespmem:s12], [sflag:$0x1] =	stream.indirect.gather [hbm4b:s3+s9], $0x10, s28, s9, $0xb8;
	[tilespmem:$0x10400] =	vst v63  }
0xf2: {  	s30 =	sadd.s32 $0x700, s18;
	s29 =	rddreg [dreg:$0xf]  }
0xf3: {  	[tilespmem:s29], [sflag:$0x1] =	stream.indirect.gather [hbm4b:s3+s9], $0x10, s30, s9, $0xb8;
	[tilespmem:$0x10400] =	vst v63  }
0xf4: {  	s20 =	sadd.s32 $0x780, s18;
	s31 =	rddreg [dreg:$0x10]  }
0xf5: {  	[tilespmem:s31], [sflag:$0x1] =	stream.indirect.gather [hbm4b:s3+s9], $0x10, s20, s9, $0xb8;
	[tilespmem:$0x10400] =	vst v63  }
0xf6: {  	s23 =	sadd.s32 $0x800, s18;
	s22 =	rddreg [dreg:$0x11]  }
0xf7: {  	[tilespmem:s22], [sflag:$0x1] =	stream.indirect.gather [hbm4b:s3+s9], $0x10, s23, s9, $0xb8;
	[tilespmem:$0x10400] =	vst v63  }
0xf8: {  	s25 =	sadd.s32 $0x880, s18;
	s24 =	rddreg [dreg:$0x12]  }
0xf9: {  	[tilespmem:s24], [sflag:$0x1] =	stream.indirect.gather [hbm4b:s3+s9], $0x10, s25, s9, $0xb8;
	[tilespmem:$0x10400] =	vst v63  }
0xfa: {  	s26 =	rddreg [dreg:$0x13];
	s28 =	sadd.s32 $0x900, s18  }
0xfb: {  	[tilespmem:s26], [sflag:$0x1] =	stream.indirect.gather [hbm4b:s3+s9], $0x10, s28, s9, $0xb8;
	[tilespmem:$0x10400] =	vst v63  }
0xfc: {  	s29 =	rddreg [dreg:$0x14];
	s30 =	sadd.s32 $0x980, s18  }
0xfd: {  	[tilespmem:s29], [sflag:$0x1] =	stream.indirect.gather [hbm4b:s3+s9], $0x10, s30, s9, $0xb8;
	[tilespmem:$0x10400] =	vst v63  }
0xfe: {  	s21 =	sadd.s32 $0xA00, s18;
	s31 =	rddreg [dreg:$0x15]  }
0xff: {  	[tilespmem:s31], [sflag:$0x1] =	stream.indirect.gather [hbm4b:s3+s9], $0x10, s21, s9, $0xb8;
	[tilespmem:$0x10400] =	vst v63  }
0x100: {  	s22 =	rddreg [dreg:$0x16];
	s23 =	sadd.s32 $0xA80, s18  }
0x101: {  	[tilespmem:s22], [sflag:$0x1] =	stream.indirect.gather [hbm4b:s3+s9], $0x10, s23, s9, $0xb8;
	[tilespmem:$0x10400] =	vst v63  }
0x102: {  	s24 =	rddreg [dreg:$0x17];
	s25 =	sadd.s32 $0xB00, s18  }
0x103: {  	[tilespmem:s24], [sflag:$0x1] =	stream.indirect.gather [hbm4b:s3+s9], $0x10, s25, s9, $0xb8;
	[tilespmem:$0x10400] =	vst v63  }
0x104: {  	s26 =	rddreg [dreg:$0x18];
	s28 =	sadd.s32 $0xB80, s18  }
0x105: {  	[tilespmem:s26], [sflag:$0x1] =	stream.indirect.gather [hbm4b:s3+s9], $0x10, s28, s9, $0xb8;
	[tilespmem:$0x10400] =	vst v63  }
0x106: {  	s29 =	rddreg [dreg:$0x19];
	s30 =	sadd.s32 $0xC00, s18  }
0x107: {  	[tilespmem:s29], [sflag:$0x1] =	stream.indirect.gather [hbm4b:s3+s9], $0x10, s30, s9, $0xb8;
	[tilespmem:$0x10400] =	vst v63  }
0x108: {  	s18 =	sadd.s32 $0xC80, s18;
	s31 =	rddreg [dreg:$0x1a]  }
0x109: {  	[tilespmem:s31], [sflag:$0x1] =	stream.indirect.gather [hbm4b:s3+s9], $0x10, s18, s9, $0xb8;
	[tilespmem:$0x10400] =	vst v63  }
0x10a: {  	_ =	swait.ge [sflag:s11], $0x800  }
0x10b: {  	[sflag:s11] =	ssyncset.done $0x0  }
0x10c: {  	[sflag:s11] =	ssyncadd.s32 $0xFFFFF800  }
0x10d: {  	_ =	swait.ge [sflag:s11], $0x800  }
0x10e: {  	[sflag:s11] =	ssyncset.done $0x0  }
0x10f: {  	[sflag:s11] =	ssyncadd.s32 $0xFFFFF800  }
0x110: {  	_ =	swait.ge [sflag:s11], $0x800  }
0x111: {  	[sflag:s11] =	ssyncset.done $0x0  }
0x112: {  	[sflag:s11] =	ssyncadd.s32 $0xFFFFF800  }
0x113: {  	_ =	swait.ge [sflag:s11], $0x800  }
0x114: {  	[sflag:s11] =	ssyncset.done $0x0  }
0x115: {  	[sflag:s11] =	ssyncadd.s32 $0xFFFFF800  }
0x116: {  	_ =	swait.ge [sflag:s11], $0x800  }
0x117: {  	[sflag:s11] =	ssyncset.done $0x0  }
0x118: {  	[sflag:s11] =	ssyncadd.s32 $0xFFFFF800  }
0x119: {  	_ =	swait.ge [sflag:s11], $0x800  }
0x11a: {  	[sflag:s11] =	ssyncset.done $0x0  }
0x11b: {  	[sflag:s11] =	ssyncadd.s32 $0xFFFFF800  }
0x11c: {  	_ =	swait.ge [sflag:s11], $0x800  }
0x11d: {  	[sflag:s11] =	ssyncset.done $0x0  }
0x11e: {  	[sflag:s11] =	ssyncadd.s32 $0xFFFFF800  }
0x11f: {  	_ =	swait.ge [sflag:s11], $0x800  }
0x120: {  	[sflag:s11] =	ssyncset.done $0x0  }
0x121: {  	[sflag:s11] =	ssyncadd.s32 $0xFFFFF800  }
0x122: {  	_ =	swait.ge [sflag:s11], $0x800  }
0x123: {  	[sflag:s11] =	ssyncset.done $0x0  }
0x124: {  	[sflag:s11] =	ssyncadd.s32 $0xFFFFF800  }
0x125: {  	_ =	swait.ge [sflag:s11], $0x800  }
0x126: {  	[sflag:s11] =	ssyncset.done $0x0  }
0x127: {  	[sflag:s11] =	ssyncadd.s32 $0xFFFFF800  }
0x128: {  	_ =	swait.ge [sflag:s11], $0x800  }
0x129: {  	[sflag:s11] =	ssyncset.done $0x0  }
0x12a: {  	[sflag:s11] =	ssyncadd.s32 $0xFFFFF800  }
0x12b: {  	_ =	swait.ge [sflag:s11], $0x800  }
0x12c: {  	[sflag:s11] =	ssyncset.done $0x0  }
0x12d: {  	[sflag:s11] =	ssyncadd.s32 $0xFFFFF800  }
0x12e: {  	_ =	swait.ge [sflag:s11], $0x800  }
0x12f: {  	[sflag:s11] =	ssyncset.done $0x0  }
0x130: {  	s17 =	sadd.s32 $0x1A00, s17;
	p0 =	sne.s32 s15, $0x9C00;
	[sflag:s11] =	ssyncadd.s32 $0xFFFFF800  }
0x131: {  	[hbm4b:s17+s2] =	stream.linear.scatter [tilespmem:s12], [sflag:$0x2], $0x6800, $0x38;
	[tilespmem:$0x10400] =	vst v63  }
.Ltmp0:
0x132: {  	_ =	swait.ge [sflag:s13], $0x6800;
	(pc) =	sbr.rel @p0 .LBB2_2-.Ltmp0, $4  }
0x133: {  	[sflag:s13] =	ssyncset.done $0x0  }
0x134: {  	[sflag:s13] =	ssyncadd.s32 $0xFFFF9800  }
0x135: {  	_ =	swait.ge [sflag:s13], $0x6800  }
0x136: {  	s15 =	sadd.s32 $0x3400, s15;
	[sflag:s13] =	ssyncset.done $0x0  }
0x137: {  	s14 =	sadd.s32 $0x1, s14  }
0x138: {  	p0 =	sne.s32 s14, s5  }
.Ltmp1:
0x139: {  	_ = 	snop;
	(pc) =	sbr.rel @p0 .LBB2_1-.Ltmp1, $2  }
0x13a: {  	_ =	sdelay $0x2  }
0x13b: {  	[sflag:s13] =	ssyncadd.s32 $0xFFFF9800  }
0x13c: {  	_ =	sfence.sel $0x180000  }
0x13d: {  	[bflag:$0x0] =	sbarrier.arrive $0xFFFF  }
0x13e: {  	p0 =	sne.s32 s1, $0x0;
	_ =	strace $0x90000047  }
0x13f: {  	s0 =	sadd.s32 @!p0 $0x100000, s0;
	[bflag:$0x2] =	sbarrier.arrive $0xFFFF  }
0x140: {  	[sflag:s0] =	ssyncadd.tile.s32 @!p0 $0x1;
	_ =	shalt  }
.Lfunc_end2:
_tile_overlayer_lowered:
.L_overlay_start_2:
0x141: {  	(tag) =	ssettag $0x2  }
0x142: {  	s0 =	rddreg [dreg:$0x0];
	s2 =	stileid.u32  }
0x143: {  	s1 =	rddreg [dreg:$0x1];
	p0 =	sne.s32 s2, $0x0  }
0x144: {  	s3 =	rddreg [dreg:$0x2];
	[bflag:$0x3] =	sbarrier.arrive $0xFFFF;
	s2 =	simm.s32 @!p0 $0x1C03  }
0x145: {  	[timem:s3], [sflag:s2] =	dma.local @!p0 [hbm:s0], s1  }
0x146: {  	s0 =	simm.s32 @!p0 $0x3  }
0x147: {  	_ =	swait.ge @!p0 [sflag:s0], s1  }
0x148: {  	s1 =	ssub.s32 @!p0 $0x0, s1;
	[sflag:s0] =	ssyncset.done @!p0 $0x0  }
0x149: {  	[sflag:s0] =	ssyncadd.s32 @!p0 s1  }
0x14a: {  	[bflag:$0x3] =	sbarrier.arrive $0xFFFF  }
0x14b: {  	_ =	shalt  }

</sc_bundles>
